<compile_context>
chip_gen: v7x
topology: tpu7x:2x2x1
jax: 0.10.2.dev20260603
libtpu: 0.0.44.dev20260713+nightly
codegen_flags: <defaults>
</compile_context>

<pallas_src>
import functools

import jax
import jax.numpy as jnp
from jax import lax
from jax.experimental import pallas as pl
from jax.experimental.pallas import tpu as pltpu
from jax.experimental.pallas import tpu_sc as plsc

_DIMS = 256
_HEADS = 8
_POINTS = 4
_QUEUE = 2
_H, _W, _D = 40, 40, 8
_NQ = _H * _W * _D
_HD = _DIMS // _HEADS
_S = _QUEUE * _HEADS * _POINTS
_NC = 8
_SR = _S * _NC

_BQA = 256
_BQC = 64


def _stage_a_body(q_ref, rp_ref, wv_ref, bv_ref, wx_ref, bx_ref, wy_ref,
                  by_ref, wz_ref, bz_ref, wa_ref, ba_ref, vp_ref, idx_ref,
                  wgt_ref):
    q = q_ref[...]
    vp_ref[...] = (jnp.dot(q, wv_ref[...], preferred_element_type=jnp.float32, precision=lax.Precision.HIGHEST)
                   + bv_ref[...])

    logits = jnp.dot(q, wa_ref[...], preferred_element_type=jnp.float32, precision=lax.Precision.HIGHEST) + ba_ref[...]
    logits = logits - jnp.max(logits, axis=-1, keepdims=True)
    e = jnp.exp(logits)
    gi = lax.broadcasted_iota(jnp.int32, (_S, _S), 0) // _POINTS
    gj = lax.broadcasted_iota(jnp.int32, (_S, _S), 1) // _POINTS
    grp = (gi == gj).astype(jnp.float32)
    aw = e / jnp.dot(e, grp, preferred_element_type=jnp.float32, precision=lax.Precision.HIGHEST)

    rp = rp_ref[...]
    qi = lax.broadcasted_iota(jnp.int32, (_QUEUE, _S), 0)
    qj = lax.broadcasted_iota(jnp.int32, (_QUEUE, _S), 1) // (_S // _QUEUE)
    oh = (qi == qj).astype(jnp.float32)
    rx = jnp.dot(rp[:, :, 0], oh, preferred_element_type=jnp.float32, precision=lax.Precision.HIGHEST)
    ry = jnp.dot(rp[:, :, 1], oh, preferred_element_type=jnp.float32, precision=lax.Precision.HIGHEST)
    rz = jnp.dot(rp[:, :, 2], oh, preferred_element_type=jnp.float32, precision=lax.Precision.HIGHEST)
    x = rx * float(_W) + jnp.dot(q, wx_ref[...],
                                 preferred_element_type=jnp.float32, precision=lax.Precision.HIGHEST) + bx_ref[...] - 0.5
    y = ry * float(_H) + jnp.dot(q, wy_ref[...],
                                 preferred_element_type=jnp.float32, precision=lax.Precision.HIGHEST) + by_ref[...] - 0.5
    z = rz * float(_D) + jnp.dot(q, wz_ref[...],
                                 preferred_element_type=jnp.float32, precision=lax.Precision.HIGHEST) + bz_ref[...] - 0.5
    x0f, y0f, z0f = jnp.floor(x), jnp.floor(y), jnp.floor(z)
    x0 = x0f.astype(jnp.int32)
    y0 = y0f.astype(jnp.int32)
    z0 = z0f.astype(jnp.int32)
    fx, fy, fz = x - x0f, y - y0f, z - z0f

    h_lane = (lax.broadcasted_iota(jnp.int32, (_BQA, _S), 1)
              % (_S // _QUEUE)) // _POINTS
    idx_parts = []
    wgt_parts = []
    for dx in (0, 1):
        for dy in (0, 1):
            for dz in (0, 1):
                xi, yi, zi = x0 + dx, y0 + dy, z0 + dz
                w = ((fx if dx else 1.0 - fx) * (fy if dy else 1.0 - fy)
                     * (fz if dz else 1.0 - fz))
                valid = ((xi >= 0) & (xi < _W) & (yi >= 0) & (yi < _H)
                         & (zi >= 0) & (zi < _D))
                w = w * valid.astype(jnp.float32) * aw
                vox = (jnp.clip(yi, 0, _H - 1) * (_W * _D)
                       + jnp.clip(xi, 0, _W - 1) * _D
                       + jnp.clip(zi, 0, _D - 1))
                idx_parts.append(vox * _HEADS + h_lane)
                wgt_parts.append(w)
    idx_ref[...] = jnp.concatenate(idx_parts, axis=-1)
    wgt_ref[...] = jnp.concatenate(wgt_parts, axis=-1)


def _stage_c_body(g_ref, w_ref, q_ref, wout_ref, bout_ref, o_ref):
    g = g_ref[...]
    w = w_ref[...]
    acc = jnp.zeros((_BQC, 128, _HD), dtype=jnp.float32)
    for p in range(_POINTS):
        acc = acc + g[:, :, p * _HD:(p + 1) * _HD] * w[:, :, p:p + 1]
    acc = jnp.sum(acc.reshape(_BQC, _NC, _QUEUE * _HEADS, _HD), axis=1)
    m = 0.5 * (acc[:, :_HEADS] + acc[:, _HEADS:])
    m = m.reshape(_BQC, _DIMS)
    o_ref[...] = (jnp.dot(m, wout_ref[...], preferred_element_type=jnp.float32, precision=lax.Precision.HIGHEST)
                  + bout_ref[...] + q_ref[...])


def _run_stage_a(q2, rp_t, wv_t, b_v, wx, bx, wy, by, wz, bz, wa_t, ba_p,
                 interpret=False):
    nblk = _NQ // _BQA
    full = lambda s: pl.BlockSpec(s, lambda i: (0,) * len(s))
    return pl.pallas_call(
        _stage_a_body,
        grid=(nblk,),
        in_specs=[
            pl.BlockSpec((_BQA, _DIMS), lambda i: (i, 0)),
            pl.BlockSpec((_BQA, _QUEUE, 3), lambda i: (i, 0, 0)),
            full((_DIMS, _DIMS)), full((_DIMS,)),
            full((_DIMS, _S)), full((_S,)),
            full((_DIMS, _S)), full((_S,)),
            full((_DIMS, _S)), full((_S,)),
            full((_DIMS, _S)), full((_S,)),
        ],
        out_specs=[
            pl.BlockSpec((_BQA, _DIMS), lambda i: (i, 0)),
            pl.BlockSpec((_BQA, _SR), lambda i: (i, 0)),
            pl.BlockSpec((_BQA, _SR), lambda i: (i, 0)),
        ],
        out_shape=[
            jax.ShapeDtypeStruct((_NQ, _DIMS), jnp.float32),
            jax.ShapeDtypeStruct((_NQ, _SR), jnp.int32),
            jax.ShapeDtypeStruct((_NQ, _SR), jnp.float32),
        ],
        interpret=interpret,
    )(q2, rp_t, wv_t, b_v, wx, bx, wy, by, wz, bz, wa_t, ba_p)


_NROWS = _NQ * _SR
_CHUNK = 2048


def _sc_gather(table, idx):
    info = plsc.get_sparse_core_info()
    nw = info.num_cores * info.num_subcores
    b_per_w = _NROWS // nw
    n_iter = b_per_w // _CHUNK
    mesh = plsc.VectorSubcoreMesh(core_axis_name="c", subcore_axis_name="s")

    @functools.partial(
        pl.kernel,
        mesh=mesh,
        out_type=jax.ShapeDtypeStruct((_NROWS, _HD), jnp.float32),
        scratch_types=[
            pltpu.VMEM((_CHUNK // 128, 128), jnp.int32),
            pltpu.VMEM((_CHUNK, _HD), jnp.float32),
            pltpu.SemaphoreType.DMA,
        ],
        compiler_params=pltpu.CompilerParams(use_tc_tiling_on_sc=False),
    )
    def k(table_hbm, idx_hbm, out_hbm, idx_v, rows_v, sem):
        wid = lax.axis_index("s") * info.num_cores + lax.axis_index("c")
        k_sub = _CHUNK // 128

        def body(i, _):
            base = wid * b_per_w + i * _CHUNK
            pltpu.sync_copy(idx_hbm.at[pl.ds(base // 128, k_sub)], idx_v)
            handles = [
                pltpu.async_copy(table_hbm.at[idx_v.at[j]],
                                 rows_v.at[pl.ds(j * 128, 128)], sem)
                for j in range(k_sub)
            ]
            for h in handles:
                h.wait()
            pltpu.sync_copy(rows_v, out_hbm.at[pl.ds(base, _CHUNK)])
            return 0

        lax.fori_loop(0, n_iter, body, 0)

    return k(table, idx)


def _run_stage_c(gath, wgt, q2, wout_t, b_out, interpret=False):
    nblk = _NQ // _BQC
    full = lambda s: pl.BlockSpec(s, lambda i: (0,) * len(s))
    return pl.pallas_call(
        _stage_c_body,
        grid=(nblk,),
        in_specs=[
            pl.BlockSpec((_BQC, 128, 128), lambda i: (i, 0, 0)),
            pl.BlockSpec((_BQC, 128, _POINTS), lambda i: (i, 0, 0)),
            pl.BlockSpec((_BQC, _DIMS), lambda i: (i, 0)),
            full((_DIMS, _DIMS)),
            full((_DIMS,)),
        ],
        out_specs=pl.BlockSpec((_BQC, _DIMS), lambda i: (i, 0)),
        out_shape=jax.ShapeDtypeStruct((_NQ, _DIMS), jnp.float32),
        interpret=interpret,
    )(gath, wgt, q2, wout_t, b_out)


def _prep_weights(W_off, b_off, W_attn, b_attn):
    wo_c = W_off[:, :_DIMS] + W_off[:, _DIMS:]
    wa_c = W_attn[:, :_DIMS] + W_attn[:, _DIMS:]
    po = jnp.arange(_S * 3).reshape(_HEADS, _QUEUE, _POINTS, 3).transpose(
        1, 0, 2, 3).reshape(-1)
    pa = jnp.arange(_S).reshape(_HEADS, _QUEUE, _POINTS).transpose(
        1, 0, 2).reshape(-1)
    wo_p = wo_c[po].reshape(_S, 3, _DIMS)
    bo_p = b_off[po].reshape(_S, 3)
    wx, wy, wz = wo_p[:, 0].T, wo_p[:, 1].T, wo_p[:, 2].T
    bx, by, bz = bo_p[:, 0], bo_p[:, 1], bo_p[:, 2]
    return wx, bx, wy, by, wz, bz, wa_c[pa].T, b_attn[pa]


def kernel(query, key, value, reference_points, spatial_shapes,
           level_start_index, W_off, b_off, W_attn, b_attn, W_v, b_v,
           W_out, b_out):
    del key, value, spatial_shapes, level_start_index
    q2 = query[0]
    wx, bx, wy, by, wz, bz, wa_t, ba_p = _prep_weights(W_off, b_off, W_attn,
                                                       b_attn)
    rp_t = reference_points[:, :, 0, :].transpose(1, 0, 2)

    vp, idx, wgt = _run_stage_a(q2, rp_t, W_v.T, b_v, wx, bx, wy, by, wz, bz,
                                wa_t, ba_p)
    table = vp.reshape(_NQ * _HEADS, _HD)
    gath = _sc_gather(table, idx.reshape(_NROWS // 128, 128))
    gath = gath.reshape(_NQ, 128, 128)
    wgt_r = wgt.reshape(_NQ, 128, _POINTS)
    out = _run_stage_c(gath, wgt_r, q2, W_out.T, b_out)
    return out[None]

# --- scband reference (transcript-rebuilt; emitter-appended) ---
"""Pipeline reference for scband-spatial-self-attention3-d-85968065397289 (READ-ONLY COPY).

The authoritative reference and input builder live on the scoring server;
editing this copy changes nothing except your own understanding.
"""

import jax, jax.numpy as jnp
import numpy as np

DIMS = 256
HEADS = 8
LEVELS = 1
POINTS = 4
QUEUE = 2
H, W, D = 40, 40, 8
NQ = H * W * D
BS = 1
HD = DIMS // HEADS


def setup_inputs(seed: int = 0):
    key = jax.random.key(seed)
    ks = jax.random.split(key, 6)
    query = jax.random.normal(ks[0], (BS, NQ, DIMS), dtype=jnp.float32)
    key_t = jax.random.normal(ks[1], (BS, NQ, DIMS), dtype=jnp.float32)
    value = jax.random.normal(ks[2], (BS, NQ, DIMS), dtype=jnp.float32)
    reference_points = jax.random.uniform(ks[3], (BS * QUEUE, NQ, LEVELS, 3), dtype=jnp.float32)
    spatial_shapes = jnp.array([[H, W, D]], dtype=jnp.int32)
    level_start_index = jnp.array([0], dtype=jnp.int32)
    off_out = QUEUE * HEADS * LEVELS * POINTS * 3
    W_off = jnp.zeros((off_out, DIMS * QUEUE), dtype=jnp.float32)
    thetas = jnp.arange(HEADS, dtype=jnp.float32) * (2.0 * np.pi / HEADS)
    grid = jnp.stack([jnp.sin(thetas), jnp.cos(thetas), thetas * 0.0], -1)
    grid = grid / jnp.max(jnp.abs(grid), axis=-1, keepdims=True)
    grid = jnp.tile(grid.reshape(HEADS, 1, 1, 3), (1, LEVELS * QUEUE, POINTS, 1))
    grid = grid * jnp.arange(1, POINTS + 1, dtype=jnp.float32).reshape(1, 1, POINTS, 1)
    b_off = grid.reshape(-1)
    attn_out = QUEUE * HEADS * LEVELS * POINTS
    W_attn = jnp.zeros((attn_out, DIMS * QUEUE), dtype=jnp.float32)
    b_attn = jnp.zeros((attn_out,), dtype=jnp.float32)
    bound = float(np.sqrt(6.0 / (DIMS + DIMS)))
    W_v = jax.random.uniform(ks[4], (DIMS, DIMS), minval=-bound, maxval=bound, dtype=jnp.float32)
    b_v = jnp.zeros((DIMS,), dtype=jnp.float32)
    W_out = jax.random.uniform(ks[5], (DIMS, DIMS), minval=-bound, maxval=bound, dtype=jnp.float32)
    b_out = jnp.zeros((DIMS,), dtype=jnp.float32)
    return {"query": query, "key": key_t, "value": value, "reference_points": reference_points,
            "spatial_shapes": spatial_shapes, "level_start_index": level_start_index,
            "W_off": W_off, "b_off": b_off, "W_attn": W_attn, "b_attn": b_attn,
            "W_v": W_v, "b_v": b_v, "W_out": W_out, "b_out": b_out}


def _msda3d(value, ss, lsi, locs, attn):
    B2 = value.shape[0]
    nq = locs.shape[1]
    out = jnp.zeros((B2, nq, HEADS, HD), dtype=value.dtype)
    for l in range(ss.shape[0]):
        H_, W_, D_ = ss[l, 0], ss[l, 1], ss[l, 2]
        Hf = H_.astype(value.dtype)
        Wf = W_.astype(value.dtype)
        Df = D_.astype(value.dtype)
        v_l = jax.lax.dynamic_slice_in_dim(value, lsi[l], H * W * D, axis=1).reshape(B2, H, W, D, HEADS, HD)
        loc = locs[:, :, :, l]
        x = loc[..., 0] * Wf - 0.5
        y = loc[..., 1] * Hf - 0.5
        z = loc[..., 2] * Df - 0.5
        x0f, y0f, z0f = jnp.floor(x), jnp.floor(y), jnp.floor(z)
        x0, y0, z0 = x0f.astype(jnp.int32), y0f.astype(jnp.int32), z0f.astype(jnp.int32)
        fx, fy, fz = x - x0f, y - y0f, z - z0f
        b_idx = jnp.arange(B2).reshape(B2, 1, 1, 1)
        h_idx = jnp.arange(HEADS).reshape(1, 1, HEADS, 1)
        sampled = jnp.zeros(x.shape + (HD,), dtype=value.dtype)
        for dx in (0, 1):
            for dy in (0, 1):
                for dz in (0, 1):
                    xi, yi, zi = x0 + dx, y0 + dy, z0 + dz
                    wx = fx if dx == 1 else 1.0 - fx
                    wy = fy if dy == 1 else 1.0 - fy
                    wz = fz if dz == 1 else 1.0 - fz
                    wgt = wx * wy * wz
                    valid = (xi >= 0) & (xi < W_) & (yi >= 0) & (yi < H_) & (zi >= 0) & (zi < D_)
                    wgt = wgt * valid.astype(value.dtype)
                    g = v_l[b_idx, jnp.clip(yi, 0, H_ - 1), jnp.clip(xi, 0, W_ - 1), jnp.clip(zi, 0, D_ - 1), h_idx]
                    sampled = sampled + wgt[..., None] * g
        out = out + jnp.sum(sampled * attn[:, :, :, l, :, None], axis=3)
    return out.reshape(B2, nq, HEADS * HD)


def reference(query, key, value, reference_points, spatial_shapes, level_start_index,
              W_off, b_off, W_attn, b_attn, W_v, b_v, W_out, b_out):
    bs, nq, dims = query.shape
    val = jnp.stack([query, query], 1).reshape(bs * QUEUE, nq, dims)
    identity = query
    q_cat = jnp.concatenate([val[:bs], query], -1)
    val_p = (jnp.dot(val, W_v.T) + b_v).reshape(bs * QUEUE, nq, HEADS, HD)
    so = (jnp.dot(q_cat, W_off.T) + b_off).reshape(bs, nq, HEADS, QUEUE, LEVELS, POINTS, 3)
    aw = (jnp.dot(q_cat, W_attn.T) + b_attn).reshape(bs, nq, HEADS, QUEUE, LEVELS * POINTS)
    aw = jax.nn.softmax(aw, axis=-1).reshape(bs, nq, HEADS, QUEUE, LEVELS, POINTS)
    aw = jnp.transpose(aw, (0, 3, 1, 2, 4, 5)).reshape(bs * QUEUE, nq, HEADS, LEVELS, POINTS)
    so = jnp.transpose(so, (0, 3, 1, 2, 4, 5, 6)).reshape(bs * QUEUE, nq, HEADS, LEVELS, POINTS, 3)
    ss = spatial_shapes
    lsi = level_start_index
    on = jnp.stack([ss[:, 1], ss[:, 0], ss[:, 2]], -1).astype(jnp.float32)
    locs = reference_points[:, :, None, :, None, :] + so / on[None, None, None, :, None, :]
    out = _msda3d(val_p, ss, lsi, locs, aw)
    out = jnp.transpose(out, (1, 2, 0)).reshape(nq, dims, bs, QUEUE).mean(-1)
    out = jnp.transpose(out, (2, 0, 1))
    out = jnp.dot(out, W_out.T) + b_out
    return out + identity

if __name__ == "__main__":
    import jax
    _d = setup_inputs()
    print(jax.jit(kernel)(*tuple(_d.values())))

</pallas_src>

<mosaic_0001>
#map = affine_map<(d0, d1) -> (0, 0)>
module attributes {stable_mosaic.version = 14 : i64} {
  func.func @k(%arg0: i32, %arg1: i32, %arg2: memref<102400x32xf32, #tpu.memory_space<hbm>>, %arg3: memref<51200x128xi32, #tpu.memory_space<hbm>>, %arg4: memref<6553600x32xf32, #tpu.memory_space<hbm>>, %arg5: memref<16x128xi32, #tpu.memory_space<vmem>>, %arg6: memref<2048x32xf32, #tpu.memory_space<vmem>>, %arg7: memref<!tpu.dma_semaphore, #tpu.memory_space<semaphore_mem>>) attributes {dimension_semantics = [#tpu.dimension_semantics<core_parallel>, #tpu.dimension_semantics<subcore_parallel>], iteration_bounds = array<i64: 2, 16>, scalar_prefetch = 0 : i64, scratch_operands = 3 : i64, tpu.core_type = #tpu.core_type<sc_vector_subcore>, window_params = [{transform_indices = #map}, {transform_indices = #map}, {transform_indices = #map}]} {
    %mul3A = arith.constant 2 : i32
    %mul3A_0 = arith.muli %arg1, %mul3A : i32
    %add3A = arith.addi %mul3A_0, %arg0 : i32
    %scan3A = arith.constant 0 : i32
    %scan3A_1 = arith.constant 0 : i32
    %scan3A_2 = arith.constant 100 : i32
    %scan3A_3 = arith.addi %scan3A_1, %scan3A_2 : i32
    %scan3A_4 = arith.constant 1 : i32
    %scan3A_5 = scf.for %scan3A_7 = %scan3A_1 to %scan3A_3 step %scan3A_4 iter_args(%scan3A_8 = %scan3A) -> (i32)  : i32 {
      %mul3A_9 = arith.constant 204800 : i32
      %mul3A_10 = arith.muli %add3A, %mul3A_9 : i32
      %mul3A_11 = arith.constant 2048 : i32
      %mul3A_12 = arith.muli %scan3A_7, %mul3A_11 : i32
      %add3A_13 = arith.addi %mul3A_10, %mul3A_12 : i32
      %jit3A = arith.constant 128 : i32
      %div3A = arith.divsi %add3A_13, %jit3A : i32
      %sign3A = arith.constant 0 : i32
      %sign3A_14 = arith.cmpi sgt, %add3A_13, %sign3A : i32
      %sign3A_15 = arith.extui %sign3A_14 : i1 to i32
      %sign3A_16 = arith.constant 0 : i32
      %sign3A_17 = arith.cmpi slt, %add3A_13, %sign3A_16 : i32
      %sign3A_18 = arith.extui %sign3A_17 : i1 to i32
      %sign3A_19 = arith.subi %sign3A_15, %sign3A_18 : i32
      %sign3A_20 = arith.constant 0 : i32
      %sign3A_21 = arith.cmpi sgt, %jit3A, %sign3A_20 : i32
      %sign3A_22 = arith.extui %sign3A_21 : i1 to i32
      %sign3A_23 = arith.constant 0 : i32
      %sign3A_24 = arith.cmpi slt, %jit3A, %sign3A_23 : i32
      %sign3A_25 = arith.extui %sign3A_24 : i1 to i32
      %sign3A_26 = arith.subi %sign3A_22, %sign3A_25 : i32
      %ne3A = arith.cmpi ne, %sign3A_19, %sign3A_26 : i32
      %rem3A = arith.remsi %add3A_13, %jit3A : i32
      %ne3A_27 = arith.constant 0 : i32
      %ne3A_28 = arith.cmpi ne, %rem3A, %ne3A_27 : i32
      %and3A = arith.andi %ne3A, %ne3A_28 : i1
      %sub3A = arith.constant 1 : i32
      %sub3A_29 = arith.subi %div3A, %sub3A : i32
      %select_n3A = arith.select %and3A, %sub3A_29, %div3A : i32
      "tpu.region"() ({
        %run_scoped3A = tpu.sem_alloc : memref<!tpu.dma_semaphore, #tpu.memory_space<semaphore_mem>>
        %dma_start3A_349 = arith.constant 0 : i32
        %dma_start3A_350 = tpu.memref_slice %arg3[%select_n3A, %dma_start3A_349] : memref<51200x128xi32, #tpu.memory_space<hbm>> -> memref<16x128xi32, #tpu.memory_space<hbm>>
        %dma_start3A_351 = arith.constant 0 : i32
        %dma_start3A_352 = tpu.memref_slice %arg3[%select_n3A, %dma_start3A_351] : memref<51200x128xi32, #tpu.memory_space<hbm>> -> memref<16x128xi32, #tpu.memory_space<hbm>>
        tpu.enqueue_dma source(%dma_start3A_352 : memref<16x128xi32, #tpu.memory_space<hbm>>) target(%arg5 : memref<16x128xi32, #tpu.memory_space<vmem>>) target_semaphore(%run_scoped3A : memref<!tpu.dma_semaphore, #tpu.memory_space<semaphore_mem>>)
        %dma_wait3A_353 = arith.constant 0 : i32
        %dma_wait3A_354 = tpu.memref_slice %arg3[%select_n3A, %dma_wait3A_353] : memref<51200x128xi32, #tpu.memory_space<hbm>> -> memref<16x128xi32, #tpu.memory_space<hbm>>
        %dma_wait3A_355 = arith.constant 0 : i32
        %dma_wait3A_356 = tpu.memref_slice %arg3[%select_n3A, %dma_wait3A_355] : memref<51200x128xi32, #tpu.memory_space<hbm>> -> memref<16x128xi32, #tpu.memory_space<hbm>>
        tpu.wait_dma2 semaphore(%run_scoped3A : memref<!tpu.dma_semaphore, #tpu.memory_space<semaphore_mem>>) src(%dma_wait3A_356 : memref<16x128xi32, #tpu.memory_space<hbm>>) dst(%arg5 : memref<16x128xi32, #tpu.memory_space<vmem>>)
        tpu.yield
      }) : () -> ()
      %dma_start3A = arith.constant 0 : i32
      %dma_start3A_30 = arith.constant 0 : i32
      %dma_start3A_31 = arith.constant 0 : i32
      %dma_start3A_32 = tpu.memref_slice %arg6[%dma_start3A_30, %dma_start3A_31] : memref<2048x32xf32, #tpu.memory_space<vmem>> -> memref<128x32xf32, #tpu.memory_space<vmem>>
      %dma_start3A_33 = arith.constant 0 : i32
      %dma_start3A_34 = tpu.memref_slice %arg5[%dma_start3A, %dma_start3A_33] : memref<16x128xi32, #tpu.memory_space<vmem>> -> memref<1x128xi32, #tpu.memory_space<vmem>>
      %dma_start3A_35 = tpu.memref_squeeze %dma_start3A_34 : memref<1x128xi32, #tpu.memory_space<vmem>> -> memref<128xi32, #tpu.memory_space<vmem>>
      %dma_start3A_36 = arith.constant 0 : i32
      %dma_start3A_37 = arith.constant 0 : i32
      %dma_start3A_38 = tpu.memref_slice %arg2[%dma_start3A_36, %dma_start3A_37] : memref<102400x32xf32, #tpu.memory_space<hbm>> -> memref<102400x32xf32, #tpu.memory_space<hbm>>
      tpu.enqueue_indirect_dma source(%dma_start3A_38 : memref<102400x32xf32, #tpu.memory_space<hbm>>) target(%dma_start3A_32 : memref<128x32xf32, #tpu.memory_space<vmem>>) offsets(%dma_start3A_35 : memref<128xi32, #tpu.memory_space<vmem>>) semaphore(%arg7 : memref<!tpu.dma_semaphore, #tpu.memory_space<semaphore_mem>>)
      %dma_start3A_39 = arith.constant 1 : i32
      %dma_start3A_40 = arith.constant 128 : i32
      %dma_start3A_41 = arith.constant 0 : i32
      %dma_start3A_42 = tpu.memref_slice %arg6[%dma_start3A_40, %dma_start3A_41] : memref<2048x32xf32, #tpu.memory_space<vmem>> -> memref<128x32xf32, #tpu.memory_space<vmem>>
      %dma_start3A_43 = arith.constant 0 : i32
      %dma_start3A_44 = tpu.memref_slice %arg5[%dma_start3A_39, %dma_start3A_43] : memref<16x128xi32, #tpu.memory_space<vmem>> -> memref<1x128xi32, #tpu.memory_space<vmem>>
      %dma_start3A_45 = tpu.memref_squeeze %dma_start3A_44 : memref<1x128xi32, #tpu.memory_space<vmem>> -> memref<128xi32, #tpu.memory_space<vmem>>
      %dma_start3A_46 = arith.constant 0 : i32
      %dma_start3A_47 = arith.constant 0 : i32
      %dma_start3A_48 = tpu.memref_slice %arg2[%dma_start3A_46, %dma_start3A_47] : memref<102400x32xf32, #tpu.memory_space<hbm>> -> memref<102400x32xf32, #tpu.memory_space<hbm>>
      tpu.enqueue_indirect_dma source(%dma_start3A_48 : memref<102400x32xf32, #tpu.memory_space<hbm>>) target(%dma_start3A_42 : memref<128x32xf32, #tpu.memory_space<vmem>>) offsets(%dma_start3A_45 : memref<128xi32, #tpu.memory_space<vmem>>) semaphore(%arg7 : memref<!tpu.dma_semaphore, #tpu.memory_space<semaphore_mem>>)
      %dma_start3A_49 = arith.constant 2 : i32
      %dma_start3A_50 = arith.constant 256 : i32
      %dma_start3A_51 = arith.constant 0 : i32
      %dma_start3A_52 = tpu.memref_slice %arg6[%dma_start3A_50, %dma_start3A_51] : memref<2048x32xf32, #tpu.memory_space<vmem>> -> memref<128x32xf32, #tpu.memory_space<vmem>>
      %dma_start3A_53 = arith.constant 0 : i32
      %dma_start3A_54 = tpu.memref_slice %arg5[%dma_start3A_49, %dma_start3A_53] : memref<16x128xi32, #tpu.memory_space<vmem>> -> memref<1x128xi32, #tpu.memory_space<vmem>>
      %dma_start3A_55 = tpu.memref_squeeze %dma_start3A_54 : memref<1x128xi32, #tpu.memory_space<vmem>> -> memref<128xi32, #tpu.memory_space<vmem>>
      %dma_start3A_56 = arith.constant 0 : i32
      %dma_start3A_57 = arith.constant 0 : i32
      %dma_start3A_58 = tpu.memref_slice %arg2[%dma_start3A_56, %dma_start3A_57] : memref<102400x32xf32, #tpu.memory_space<hbm>> -> memref<102400x32xf32, #tpu.memory_space<hbm>>
      tpu.enqueue_indirect_dma source(%dma_start3A_58 : memref<102400x32xf32, #tpu.memory_space<hbm>>) target(%dma_start3A_52 : memref<128x32xf32, #tpu.memory_space<vmem>>) offsets(%dma_start3A_55 : memref<128xi32, #tpu.memory_space<vmem>>) semaphore(%arg7 : memref<!tpu.dma_semaphore, #tpu.memory_space<semaphore_mem>>)
      %dma_start3A_59 = arith.constant 3 : i32
      %dma_start3A_60 = arith.constant 384 : i32
      %dma_start3A_61 = arith.constant 0 : i32
      %dma_start3A_62 = tpu.memref_slice %arg6[%dma_start3A_60, %dma_start3A_61] : memref<2048x32xf32, #tpu.memory_space<vmem>> -> memref<128x32xf32, #tpu.memory_space<vmem>>
      %dma_start3A_63 = arith.constant 0 : i32
      %dma_start3A_64 = tpu.memref_slice %arg5[%dma_start3A_59, %dma_start3A_63] : memref<16x128xi32, #tpu.memory_space<vmem>> -> memref<1x128xi32, #tpu.memory_space<vmem>>
      %dma_start3A_65 = tpu.memref_squeeze %dma_start3A_64 : memref<1x128xi32, #tpu.memory_space<vmem>> -> memref<128xi32, #tpu.memory_space<vmem>>
      %dma_start3A_66 = arith.constant 0 : i32
      %dma_start3A_67 = arith.constant 0 : i32
      %dma_start3A_68 = tpu.memref_slice %arg2[%dma_start3A_66, %dma_start3A_67] : memref<102400x32xf32, #tpu.memory_space<hbm>> -> memref<102400x32xf32, #tpu.memory_space<hbm>>
      tpu.enqueue_indirect_dma source(%dma_start3A_68 : memref<102400x32xf32, #tpu.memory_space<hbm>>) target(%dma_start3A_62 : memref<128x32xf32, #tpu.memory_space<vmem>>) offsets(%dma_start3A_65 : memref<128xi32, #tpu.memory_space<vmem>>) semaphore(%arg7 : memref<!tpu.dma_semaphore, #tpu.memory_space<semaphore_mem>>)
      %dma_start3A_69 = arith.constant 4 : i32
      %dma_start3A_70 = arith.constant 512 : i32
      %dma_start3A_71 = arith.constant 0 : i32
      %dma_start3A_72 = tpu.memref_slice %arg6[%dma_start3A_70, %dma_start3A_71] : memref<2048x32xf32, #tpu.memory_space<vmem>> -> memref<128x32xf32, #tpu.memory_space<vmem>>
      %dma_start3A_73 = arith.constant 0 : i32
      %dma_start3A_74 = tpu.memref_slice %arg5[%dma_start3A_69, %dma_start3A_73] : memref<16x128xi32, #tpu.memory_space<vmem>> -> memref<1x128xi32, #tpu.memory_space<vmem>>
      %dma_start3A_75 = tpu.memref_squeeze %dma_start3A_74 : memref<1x128xi32, #tpu.memory_space<vmem>> -> memref<128xi32, #tpu.memory_space<vmem>>
      %dma_start3A_76 = arith.constant 0 : i32
      %dma_start3A_77 = arith.constant 0 : i32
      %dma_start3A_78 = tpu.memref_slice %arg2[%dma_start3A_76, %dma_start3A_77] : memref<102400x32xf32, #tpu.memory_space<hbm>> -> memref<102400x32xf32, #tpu.memory_space<hbm>>
      tpu.enqueue_indirect_dma source(%dma_start3A_78 : memref<102400x32xf32, #tpu.memory_space<hbm>>) target(%dma_start3A_72 : memref<128x32xf32, #tpu.memory_space<vmem>>) offsets(%dma_start3A_75 : memref<128xi32, #tpu.memory_space<vmem>>) semaphore(%arg7 : memref<!tpu.dma_semaphore, #tpu.memory_space<semaphore_mem>>)
      %dma_start3A_79 = arith.constant 5 : i32
      %dma_start3A_80 = arith.constant 640 : i32
      %dma_start3A_81 = arith.constant 0 : i32
      %dma_start3A_82 = tpu.memref_slice %arg6[%dma_start3A_80, %dma_start3A_81] : memref<2048x32xf32, #tpu.memory_space<vmem>> -> memref<128x32xf32, #tpu.memory_space<vmem>>
      %dma_start3A_83 = arith.constant 0 : i32
      %dma_start3A_84 = tpu.memref_slice %arg5[%dma_start3A_79, %dma_start3A_83] : memref<16x128xi32, #tpu.memory_space<vmem>> -> memref<1x128xi32, #tpu.memory_space<vmem>>
      %dma_start3A_85 = tpu.memref_squeeze %dma_start3A_84 : memref<1x128xi32, #tpu.memory_space<vmem>> -> memref<128xi32, #tpu.memory_space<vmem>>
      %dma_start3A_86 = arith.constant 0 : i32
      %dma_start3A_87 = arith.constant 0 : i32
      %dma_start3A_88 = tpu.memref_slice %arg2[%dma_start3A_86, %dma_start3A_87] : memref<102400x32xf32, #tpu.memory_space<hbm>> -> memref<102400x32xf32, #tpu.memory_space<hbm>>
      tpu.enqueue_indirect_dma source(%dma_start3A_88 : memref<102400x32xf32, #tpu.memory_space<hbm>>) target(%dma_start3A_82 : memref<128x32xf32, #tpu.memory_space<vmem>>) offsets(%dma_start3A_85 : memref<128xi32, #tpu.memory_space<vmem>>) semaphore(%arg7 : memref<!tpu.dma_semaphore, #tpu.memory_space<semaphore_mem>>)
      %dma_start3A_89 = arith.constant 6 : i32
      %dma_start3A_90 = arith.constant 768 : i32
      %dma_start3A_91 = arith.constant 0 : i32
      %dma_start3A_92 = tpu.memref_slice %arg6[%dma_start3A_90, %dma_start3A_91] : memref<2048x32xf32, #tpu.memory_space<vmem>> -> memref<128x32xf32, #tpu.memory_space<vmem>>
      %dma_start3A_93 = arith.constant 0 : i32
      %dma_start3A_94 = tpu.memref_slice %arg5[%dma_start3A_89, %dma_start3A_93] : memref<16x128xi32, #tpu.memory_space<vmem>> -> memref<1x128xi32, #tpu.memory_space<vmem>>
      %dma_start3A_95 = tpu.memref_squeeze %dma_start3A_94 : memref<1x128xi32, #tpu.memory_space<vmem>> -> memref<128xi32, #tpu.memory_space<vmem>>
      %dma_start3A_96 = arith.constant 0 : i32
      %dma_start3A_97 = arith.constant 0 : i32
      %dma_start3A_98 = tpu.memref_slice %arg2[%dma_start3A_96, %dma_start3A_97] : memref<102400x32xf32, #tpu.memory_space<hbm>> -> memref<102400x32xf32, #tpu.memory_space<hbm>>
      tpu.enqueue_indirect_dma source(%dma_start3A_98 : memref<102400x32xf32, #tpu.memory_space<hbm>>) target(%dma_start3A_92 : memref<128x32xf32, #tpu.memory_space<vmem>>) offsets(%dma_start3A_95 : memref<128xi32, #tpu.memory_space<vmem>>) semaphore(%arg7 : memref<!tpu.dma_semaphore, #tpu.memory_space<semaphore_mem>>)
      %dma_start3A_99 = arith.constant 7 : i32
      %dma_start3A_100 = arith.constant 896 : i32
      %dma_start3A_101 = arith.constant 0 : i32
      %dma_start3A_102 = tpu.memref_slice %arg6[%dma_start3A_100, %dma_start3A_101] : memref<2048x32xf32, #tpu.memory_space<vmem>> -> memref<128x32xf32, #tpu.memory_space<vmem>>
      %dma_start3A_103 = arith.constant 0 : i32
      %dma_start3A_104 = tpu.memref_slice %arg5[%dma_start3A_99, %dma_start3A_103] : memref<16x128xi32, #tpu.memory_space<vmem>> -> memref<1x128xi32, #tpu.memory_space<vmem>>
      %dma_start3A_105 = tpu.memref_squeeze %dma_start3A_104 : memref<1x128xi32, #tpu.memory_space<vmem>> -> memref<128xi32, #tpu.memory_space<vmem>>
      %dma_start3A_106 = arith.constant 0 : i32
      %dma_start3A_107 = arith.constant 0 : i32
      %dma_start3A_108 = tpu.memref_slice %arg2[%dma_start3A_106, %dma_start3A_107] : memref<102400x32xf32, #tpu.memory_space<hbm>> -> memref<102400x32xf32, #tpu.memory_space<hbm>>
      tpu.enqueue_indirect_dma source(%dma_start3A_108 : memref<102400x32xf32, #tpu.memory_space<hbm>>) target(%dma_start3A_102 : memref<128x32xf32, #tpu.memory_space<vmem>>) offsets(%dma_start3A_105 : memref<128xi32, #tpu.memory_space<vmem>>) semaphore(%arg7 : memref<!tpu.dma_semaphore, #tpu.memory_space<semaphore_mem>>)
      %dma_start3A_109 = arith.constant 8 : i32
      %dma_start3A_110 = arith.constant 1024 : i32
      %dma_start3A_111 = arith.constant 0 : i32
      %dma_start3A_112 = tpu.memref_slice %arg6[%dma_start3A_110, %dma_start3A_111] : memref<2048x32xf32, #tpu.memory_space<vmem>> -> memref<128x32xf32, #tpu.memory_space<vmem>>
      %dma_start3A_113 = arith.constant 0 : i32
      %dma_start3A_114 = tpu.memref_slice %arg5[%dma_start3A_109, %dma_start3A_113] : memref<16x128xi32, #tpu.memory_space<vmem>> -> memref<1x128xi32, #tpu.memory_space<vmem>>
      %dma_start3A_115 = tpu.memref_squeeze %dma_start3A_114 : memref<1x128xi32, #tpu.memory_space<vmem>> -> memref<128xi32, #tpu.memory_space<vmem>>
      %dma_start3A_116 = arith.constant 0 : i32
      %dma_start3A_117 = arith.constant 0 : i32
      %dma_start3A_118 = tpu.memref_slice %arg2[%dma_start3A_116, %dma_start3A_117] : memref<102400x32xf32, #tpu.memory_space<hbm>> -> memref<102400x32xf32, #tpu.memory_space<hbm>>
      tpu.enqueue_indirect_dma source(%dma_start3A_118 : memref<102400x32xf32, #tpu.memory_space<hbm>>) target(%dma_start3A_112 : memref<128x32xf32, #tpu.memory_space<vmem>>) offsets(%dma_start3A_115 : memref<128xi32, #tpu.memory_space<vmem>>) semaphore(%arg7 : memref<!tpu.dma_semaphore, #tpu.memory_space<semaphore_mem>>)
      %dma_start3A_119 = arith.constant 9 : i32
      %dma_start3A_120 = arith.constant 1152 : i32
      %dma_start3A_121 = arith.constant 0 : i32
      %dma_start3A_122 = tpu.memref_slice %arg6[%dma_start3A_120, %dma_start3A_121] : memref<2048x32xf32, #tpu.memory_space<vmem>> -> memref<128x32xf32, #tpu.memory_space<vmem>>
      %dma_start3A_123 = arith.constant 0 : i32
      %dma_start3A_124 = tpu.memref_slice %arg5[%dma_start3A_119, %dma_start3A_123] : memref<16x128xi32, #tpu.memory_space<vmem>> -> memref<1x128xi32, #tpu.memory_space<vmem>>
      %dma_start3A_125 = tpu.memref_squeeze %dma_start3A_124 : memref<1x128xi32, #tpu.memory_space<vmem>> -> memref<128xi32, #tpu.memory_space<vmem>>
      %dma_start3A_126 = arith.constant 0 : i32
      %dma_start3A_127 = arith.constant 0 : i32
      %dma_start3A_128 = tpu.memref_slice %arg2[%dma_start3A_126, %dma_start3A_127] : memref<102400x32xf32, #tpu.memory_space<hbm>> -> memref<102400x32xf32, #tpu.memory_space<hbm>>
      tpu.enqueue_indirect_dma source(%dma_start3A_128 : memref<102400x32xf32, #tpu.memory_space<hbm>>) target(%dma_start3A_122 : memref<128x32xf32, #tpu.memory_space<vmem>>) offsets(%dma_start3A_125 : memref<128xi32, #tpu.memory_space<vmem>>) semaphore(%arg7 : memref<!tpu.dma_semaphore, #tpu.memory_space<semaphore_mem>>)
      %dma_start3A_129 = arith.constant 10 : i32
      %dma_start3A_130 = arith.constant 1280 : i32
      %dma_start3A_131 = arith.constant 0 : i32
      %dma_start3A_132 = tpu.memref_slice %arg6[%dma_start3A_130, %dma_start3A_131] : memref<2048x32xf32, #tpu.memory_space<vmem>> -> memref<128x32xf32, #tpu.memory_space<vmem>>
      %dma_start3A_133 = arith.constant 0 : i32
      %dma_start3A_134 = tpu.memref_slice %arg5[%dma_start3A_129, %dma_start3A_133] : memref<16x128xi32, #tpu.memory_space<vmem>> -> memref<1x128xi32, #tpu.memory_space<vmem>>
      %dma_start3A_135 = tpu.memref_squeeze %dma_start3A_134 : memref<1x128xi32, #tpu.memory_space<vmem>> -> memref<128xi32, #tpu.memory_space<vmem>>
      %dma_start3A_136 = arith.constant 0 : i32
      %dma_start3A_137 = arith.constant 0 : i32
      %dma_start3A_138 = tpu.memref_slice %arg2[%dma_start3A_136, %dma_start3A_137] : memref<102400x32xf32, #tpu.memory_space<hbm>> -> memref<102400x32xf32, #tpu.memory_space<hbm>>
      tpu.enqueue_indirect_dma source(%dma_start3A_138 : memref<102400x32xf32, #tpu.memory_space<hbm>>) target(%dma_start3A_132 : memref<128x32xf32, #tpu.memory_space<vmem>>) offsets(%dma_start3A_135 : memref<128xi32, #tpu.memory_space<vmem>>) semaphore(%arg7 : memref<!tpu.dma_semaphore, #tpu.memory_space<semaphore_mem>>)
      %dma_start3A_139 = arith.constant 11 : i32
      %dma_start3A_140 = arith.constant 1408 : i32
      %dma_start3A_141 = arith.constant 0 : i32
      %dma_start3A_142 = tpu.memref_slice %arg6[%dma_start3A_140, %dma_start3A_141] : memref<2048x32xf32, #tpu.memory_space<vmem>> -> memref<128x32xf32, #tpu.memory_space<vmem>>
      %dma_start3A_143 = arith.constant 0 : i32
      %dma_start3A_144 = tpu.memref_slice %arg5[%dma_start3A_139, %dma_start3A_143] : memref<16x128xi32, #tpu.memory_space<vmem>> -> memref<1x128xi32, #tpu.memory_space<vmem>>
      %dma_start3A_145 = tpu.memref_squeeze %dma_start3A_144 : memref<1x128xi32, #tpu.memory_space<vmem>> -> memref<128xi32, #tpu.memory_space<vmem>>
      %dma_start3A_146 = arith.constant 0 : i32
      %dma_start3A_147 = arith.constant 0 : i32
      %dma_start3A_148 = tpu.memref_slice %arg2[%dma_start3A_146, %dma_start3A_147] : memref<102400x32xf32, #tpu.memory_space<hbm>> -> memref<102400x32xf32, #tpu.memory_space<hbm>>
      tpu.enqueue_indirect_dma source(%dma_start3A_148 : memref<102400x32xf32, #tpu.memory_space<hbm>>) target(%dma_start3A_142 : memref<128x32xf32, #tpu.memory_space<vmem>>) offsets(%dma_start3A_145 : memref<128xi32, #tpu.memory_space<vmem>>) semaphore(%arg7 : memref<!tpu.dma_semaphore, #tpu.memory_space<semaphore_mem>>)
      %dma_start3A_149 = arith.constant 12 : i32
      %dma_start3A_150 = arith.constant 1536 : i32
      %dma_start3A_151 = arith.constant 0 : i32
      %dma_start3A_152 = tpu.memref_slice %arg6[%dma_start3A_150, %dma_start3A_151] : memref<2048x32xf32, #tpu.memory_space<vmem>> -> memref<128x32xf32, #tpu.memory_space<vmem>>
      %dma_start3A_153 = arith.constant 0 : i32
      %dma_start3A_154 = tpu.memref_slice %arg5[%dma_start3A_149, %dma_start3A_153] : memref<16x128xi32, #tpu.memory_space<vmem>> -> memref<1x128xi32, #tpu.memory_space<vmem>>
      %dma_start3A_155 = tpu.memref_squeeze %dma_start3A_154 : memref<1x128xi32, #tpu.memory_space<vmem>> -> memref<128xi32, #tpu.memory_space<vmem>>
      %dma_start3A_156 = arith.constant 0 : i32
      %dma_start3A_157 = arith.constant 0 : i32
      %dma_start3A_158 = tpu.memref_slice %arg2[%dma_start3A_156, %dma_start3A_157] : memref<102400x32xf32, #tpu.memory_space<hbm>> -> memref<102400x32xf32, #tpu.memory_space<hbm>>
      tpu.enqueue_indirect_dma source(%dma_start3A_158 : memref<102400x32xf32, #tpu.memory_space<hbm>>) target(%dma_start3A_152 : memref<128x32xf32, #tpu.memory_space<vmem>>) offsets(%dma_start3A_155 : memref<128xi32, #tpu.memory_space<vmem>>) semaphore(%arg7 : memref<!tpu.dma_semaphore, #tpu.memory_space<semaphore_mem>>)
      %dma_start3A_159 = arith.constant 13 : i32
      %dma_start3A_160 = arith.constant 1664 : i32
      %dma_start3A_161 = arith.constant 0 : i32
      %dma_start3A_162 = tpu.memref_slice %arg6[%dma_start3A_160, %dma_start3A_161] : memref<2048x32xf32, #tpu.memory_space<vmem>> -> memref<128x32xf32, #tpu.memory_space<vmem>>
      %dma_start3A_163 = arith.constant 0 : i32
      %dma_start3A_164 = tpu.memref_slice %arg5[%dma_start3A_159, %dma_start3A_163] : memref<16x128xi32, #tpu.memory_space<vmem>> -> memref<1x128xi32, #tpu.memory_space<vmem>>
      %dma_start3A_165 = tpu.memref_squeeze %dma_start3A_164 : memref<1x128xi32, #tpu.memory_space<vmem>> -> memref<128xi32, #tpu.memory_space<vmem>>
      %dma_start3A_166 = arith.constant 0 : i32
      %dma_start3A_167 = arith.constant 0 : i32
      %dma_start3A_168 = tpu.memref_slice %arg2[%dma_start3A_166, %dma_start3A_167] : memref<102400x32xf32, #tpu.memory_space<hbm>> -> memref<102400x32xf32, #tpu.memory_space<hbm>>
      tpu.enqueue_indirect_dma source(%dma_start3A_168 : memref<102400x32xf32, #tpu.memory_space<hbm>>) target(%dma_start3A_162 : memref<128x32xf32, #tpu.memory_space<vmem>>) offsets(%dma_start3A_165 : memref<128xi32, #tpu.memory_space<vmem>>) semaphore(%arg7 : memref<!tpu.dma_semaphore, #tpu.memory_space<semaphore_mem>>)
      %dma_start3A_169 = arith.constant 14 : i32
      %dma_start3A_170 = arith.constant 1792 : i32
      %dma_start3A_171 = arith.constant 0 : i32
      %dma_start3A_172 = tpu.memref_slice %arg6[%dma_start3A_170, %dma_start3A_171] : memref<2048x32xf32, #tpu.memory_space<vmem>> -> memref<128x32xf32, #tpu.memory_space<vmem>>
      %dma_start3A_173 = arith.constant 0 : i32
      %dma_start3A_174 = tpu.memref_slice %arg5[%dma_start3A_169, %dma_start3A_173] : memref<16x128xi32, #tpu.memory_space<vmem>> -> memref<1x128xi32, #tpu.memory_space<vmem>>
      %dma_start3A_175 = tpu.memref_squeeze %dma_start3A_174 : memref<1x128xi32, #tpu.memory_space<vmem>> -> memref<128xi32, #tpu.memory_space<vmem>>
      %dma_start3A_176 = arith.constant 0 : i32
      %dma_start3A_177 = arith.constant 0 : i32
      %dma_start3A_178 = tpu.memref_slice %arg2[%dma_start3A_176, %dma_start3A_177] : memref<102400x32xf32, #tpu.memory_space<hbm>> -> memref<102400x32xf32, #tpu.memory_space<hbm>>
      tpu.enqueue_indirect_dma source(%dma_start3A_178 : memref<102400x32xf32, #tpu.memory_space<hbm>>) target(%dma_start3A_172 : memref<128x32xf32, #tpu.memory_space<vmem>>) offsets(%dma_start3A_175 : memref<128xi32, #tpu.memory_space<vmem>>) semaphore(%arg7 : memref<!tpu.dma_semaphore, #tpu.memory_space<semaphore_mem>>)
      %dma_start3A_179 = arith.constant 15 : i32
      %dma_start3A_180 = arith.constant 1920 : i32
      %dma_start3A_181 = arith.constant 0 : i32
      %dma_start3A_182 = tpu.memref_slice %arg6[%dma_start3A_180, %dma_start3A_181] : memref<2048x32xf32, #tpu.memory_space<vmem>> -> memref<128x32xf32, #tpu.memory_space<vmem>>
      %dma_start3A_183 = arith.constant 0 : i32
      %dma_start3A_184 = tpu.memref_slice %arg5[%dma_start3A_179, %dma_start3A_183] : memref<16x128xi32, #tpu.memory_space<vmem>> -> memref<1x128xi32, #tpu.memory_space<vmem>>
      %dma_start3A_185 = tpu.memref_squeeze %dma_start3A_184 : memref<1x128xi32, #tpu.memory_space<vmem>> -> memref<128xi32, #tpu.memory_space<vmem>>
      %dma_start3A_186 = arith.constant 0 : i32
      %dma_start3A_187 = arith.constant 0 : i32
      %dma_start3A_188 = tpu.memref_slice %arg2[%dma_start3A_186, %dma_start3A_187] : memref<102400x32xf32, #tpu.memory_space<hbm>> -> memref<102400x32xf32, #tpu.memory_space<hbm>>
      tpu.enqueue_indirect_dma source(%dma_start3A_188 : memref<102400x32xf32, #tpu.memory_space<hbm>>) target(%dma_start3A_182 : memref<128x32xf32, #tpu.memory_space<vmem>>) offsets(%dma_start3A_185 : memref<128xi32, #tpu.memory_space<vmem>>) semaphore(%arg7 : memref<!tpu.dma_semaphore, #tpu.memory_space<semaphore_mem>>)
      %dma_wait3A = arith.constant 0 : i32
      %dma_wait3A_189 = arith.constant 0 : i32
      %dma_wait3A_190 = arith.constant 0 : i32
      %dma_wait3A_191 = tpu.memref_slice %arg6[%dma_wait3A_189, %dma_wait3A_190] : memref<2048x32xf32, #tpu.memory_space<vmem>> -> memref<128x32xf32, #tpu.memory_space<vmem>>
      %dma_wait3A_192 = arith.constant 0 : i32
      %dma_wait3A_193 = tpu.memref_slice %arg5[%dma_wait3A, %dma_wait3A_192] : memref<16x128xi32, #tpu.memory_space<vmem>> -> memref<1x128xi32, #tpu.memory_space<vmem>>
      %dma_wait3A_194 = tpu.memref_squeeze %dma_wait3A_193 : memref<1x128xi32, #tpu.memory_space<vmem>> -> memref<128xi32, #tpu.memory_space<vmem>>
      %dma_wait3A_195 = arith.constant 0 : i32
      %dma_wait3A_196 = arith.constant 0 : i32
      %dma_wait3A_197 = tpu.memref_slice %arg2[%dma_wait3A_195, %dma_wait3A_196] : memref<102400x32xf32, #tpu.memory_space<hbm>> -> memref<102400x32xf32, #tpu.memory_space<hbm>>
      tpu.wait_indirect_dma semaphore(%arg7 : memref<!tpu.dma_semaphore, #tpu.memory_space<semaphore_mem>>) src(%dma_wait3A_197 : memref<102400x32xf32, #tpu.memory_space<hbm>>) dst(%dma_wait3A_191 : memref<128x32xf32, #tpu.memory_space<vmem>>)
      %dma_wait3A_198 = arith.constant 1 : i32
      %dma_wait3A_199 = arith.constant 128 : i32
      %dma_wait3A_200 = arith.constant 0 : i32
      %dma_wait3A_201 = tpu.memref_slice %arg6[%dma_wait3A_199, %dma_wait3A_200] : memref<2048x32xf32, #tpu.memory_space<vmem>> -> memref<128x32xf32, #tpu.memory_space<vmem>>
      %dma_wait3A_202 = arith.constant 0 : i32
      %dma_wait3A_203 = tpu.memref_slice %arg5[%dma_wait3A_198, %dma_wait3A_202] : memref<16x128xi32, #tpu.memory_space<vmem>> -> memref<1x128xi32, #tpu.memory_space<vmem>>
      %dma_wait3A_204 = tpu.memref_squeeze %dma_wait3A_203 : memref<1x128xi32, #tpu.memory_space<vmem>> -> memref<128xi32, #tpu.memory_space<vmem>>
      %dma_wait3A_205 = arith.constant 0 : i32
      %dma_wait3A_206 = arith.constant 0 : i32
      %dma_wait3A_207 = tpu.memref_slice %arg2[%dma_wait3A_205, %dma_wait3A_206] : memref<102400x32xf32, #tpu.memory_space<hbm>> -> memref<102400x32xf32, #tpu.memory_space<hbm>>
      tpu.wait_indirect_dma semaphore(%arg7 : memref<!tpu.dma_semaphore, #tpu.memory_space<semaphore_mem>>) src(%dma_wait3A_207 : memref<102400x32xf32, #tpu.memory_space<hbm>>) dst(%dma_wait3A_201 : memref<128x32xf32, #tpu.memory_space<vmem>>)
      %dma_wait3A_208 = arith.constant 2 : i32
      %dma_wait3A_209 = arith.constant 256 : i32
      %dma_wait3A_210 = arith.constant 0 : i32
      %dma_wait3A_211 = tpu.memref_slice %arg6[%dma_wait3A_209, %dma_wait3A_210] : memref<2048x32xf32, #tpu.memory_space<vmem>> -> memref<128x32xf32, #tpu.memory_space<vmem>>
      %dma_wait3A_212 = arith.constant 0 : i32
      %dma_wait3A_213 = tpu.memref_slice %arg5[%dma_wait3A_208, %dma_wait3A_212] : memref<16x128xi32, #tpu.memory_space<vmem>> -> memref<1x128xi32, #tpu.memory_space<vmem>>
      %dma_wait3A_214 = tpu.memref_squeeze %dma_wait3A_213 : memref<1x128xi32, #tpu.memory_space<vmem>> -> memref<128xi32, #tpu.memory_space<vmem>>
      %dma_wait3A_215 = arith.constant 0 : i32
      %dma_wait3A_216 = arith.constant 0 : i32
      %dma_wait3A_217 = tpu.memref_slice %arg2[%dma_wait3A_215, %dma_wait3A_216] : memref<102400x32xf32, #tpu.memory_space<hbm>> -> memref<102400x32xf32, #tpu.memory_space<hbm>>
      tpu.wait_indirect_dma semaphore(%arg7 : memref<!tpu.dma_semaphore, #tpu.memory_space<semaphore_mem>>) src(%dma_wait3A_217 : memref<102400x32xf32, #tpu.memory_space<hbm>>) dst(%dma_wait3A_211 : memref<128x32xf32, #tpu.memory_space<vmem>>)
      %dma_wait3A_218 = arith.constant 3 : i32
      %dma_wait3A_219 = arith.constant 384 : i32
      %dma_wait3A_220 = arith.constant 0 : i32
      %dma_wait3A_221 = tpu.memref_slice %arg6[%dma_wait3A_219, %dma_wait3A_220] : memref<2048x32xf32, #tpu.memory_space<vmem>> -> memref<128x32xf32, #tpu.memory_space<vmem>>
      %dma_wait3A_222 = arith.constant 0 : i32
      %dma_wait3A_223 = tpu.memref_slice %arg5[%dma_wait3A_218, %dma_wait3A_222] : memref<16x128xi32, #tpu.memory_space<vmem>> -> memref<1x128xi32, #tpu.memory_space<vmem>>
      %dma_wait3A_224 = tpu.memref_squeeze %dma_wait3A_223 : memref<1x128xi32, #tpu.memory_space<vmem>> -> memref<128xi32, #tpu.memory_space<vmem>>
      %dma_wait3A_225 = arith.constant 0 : i32
      %dma_wait3A_226 = arith.constant 0 : i32
      %dma_wait3A_227 = tpu.memref_slice %arg2[%dma_wait3A_225, %dma_wait3A_226] : memref<102400x32xf32, #tpu.memory_space<hbm>> -> memref<102400x32xf32, #tpu.memory_space<hbm>>
      tpu.wait_indirect_dma semaphore(%arg7 : memref<!tpu.dma_semaphore, #tpu.memory_space<semaphore_mem>>) src(%dma_wait3A_227 : memref<102400x32xf32, #tpu.memory_space<hbm>>) dst(%dma_wait3A_221 : memref<128x32xf32, #tpu.memory_space<vmem>>)
      %dma_wait3A_228 = arith.constant 4 : i32
      %dma_wait3A_229 = arith.constant 512 : i32
      %dma_wait3A_230 = arith.constant 0 : i32
      %dma_wait3A_231 = tpu.memref_slice %arg6[%dma_wait3A_229, %dma_wait3A_230] : memref<2048x32xf32, #tpu.memory_space<vmem>> -> memref<128x32xf32, #tpu.memory_space<vmem>>
      %dma_wait3A_232 = arith.constant 0 : i32
      %dma_wait3A_233 = tpu.memref_slice %arg5[%dma_wait3A_228, %dma_wait3A_232] : memref<16x128xi32, #tpu.memory_space<vmem>> -> memref<1x128xi32, #tpu.memory_space<vmem>>
      %dma_wait3A_234 = tpu.memref_squeeze %dma_wait3A_233 : memref<1x128xi32, #tpu.memory_space<vmem>> -> memref<128xi32, #tpu.memory_space<vmem>>
      %dma_wait3A_235 = arith.constant 0 : i32
      %dma_wait3A_236 = arith.constant 0 : i32
      %dma_wait3A_237 = tpu.memref_slice %arg2[%dma_wait3A_235, %dma_wait3A_236] : memref<102400x32xf32, #tpu.memory_space<hbm>> -> memref<102400x32xf32, #tpu.memory_space<hbm>>
      tpu.wait_indirect_dma semaphore(%arg7 : memref<!tpu.dma_semaphore, #tpu.memory_space<semaphore_mem>>) src(%dma_wait3A_237 : memref<102400x32xf32, #tpu.memory_space<hbm>>) dst(%dma_wait3A_231 : memref<128x32xf32, #tpu.memory_space<vmem>>)
      %dma_wait3A_238 = arith.constant 5 : i32
      %dma_wait3A_239 = arith.constant 640 : i32
      %dma_wait3A_240 = arith.constant 0 : i32
      %dma_wait3A_241 = tpu.memref_slice %arg6[%dma_wait3A_239, %dma_wait3A_240] : memref<2048x32xf32, #tpu.memory_space<vmem>> -> memref<128x32xf32, #tpu.memory_space<vmem>>
      %dma_wait3A_242 = arith.constant 0 : i32
      %dma_wait3A_243 = tpu.memref_slice %arg5[%dma_wait3A_238, %dma_wait3A_242] : memref<16x128xi32, #tpu.memory_space<vmem>> -> memref<1x128xi32, #tpu.memory_space<vmem>>
      %dma_wait3A_244 = tpu.memref_squeeze %dma_wait3A_243 : memref<1x128xi32, #tpu.memory_space<vmem>> -> memref<128xi32, #tpu.memory_space<vmem>>
      %dma_wait3A_245 = arith.constant 0 : i32
      %dma_wait3A_246 = arith.constant 0 : i32
      %dma_wait3A_247 = tpu.memref_slice %arg2[%dma_wait3A_245, %dma_wait3A_246] : memref<102400x32xf32, #tpu.memory_space<hbm>> -> memref<102400x32xf32, #tpu.memory_space<hbm>>
      tpu.wait_indirect_dma semaphore(%arg7 : memref<!tpu.dma_semaphore, #tpu.memory_space<semaphore_mem>>) src(%dma_wait3A_247 : memref<102400x32xf32, #tpu.memory_space<hbm>>) dst(%dma_wait3A_241 : memref<128x32xf32, #tpu.memory_space<vmem>>)
      %dma_wait3A_248 = arith.constant 6 : i32
      %dma_wait3A_249 = arith.constant 768 : i32
      %dma_wait3A_250 = arith.constant 0 : i32
      %dma_wait3A_251 = tpu.memref_slice %arg6[%dma_wait3A_249, %dma_wait3A_250] : memref<2048x32xf32, #tpu.memory_space<vmem>> -> memref<128x32xf32, #tpu.memory_space<vmem>>
      %dma_wait3A_252 = arith.constant 0 : i32
      %dma_wait3A_253 = tpu.memref_slice %arg5[%dma_wait3A_248, %dma_wait3A_252] : memref<16x128xi32, #tpu.memory_space<vmem>> -> memref<1x128xi32, #tpu.memory_space<vmem>>
      %dma_wait3A_254 = tpu.memref_squeeze %dma_wait3A_253 : memref<1x128xi32, #tpu.memory_space<vmem>> -> memref<128xi32, #tpu.memory_space<vmem>>
      %dma_wait3A_255 = arith.constant 0 : i32
      %dma_wait3A_256 = arith.constant 0 : i32
      %dma_wait3A_257 = tpu.memref_slice %arg2[%dma_wait3A_255, %dma_wait3A_256] : memref<102400x32xf32, #tpu.memory_space<hbm>> -> memref<102400x32xf32, #tpu.memory_space<hbm>>
      tpu.wait_indirect_dma semaphore(%arg7 : memref<!tpu.dma_semaphore, #tpu.memory_space<semaphore_mem>>) src(%dma_wait3A_257 : memref<102400x32xf32, #tpu.memory_space<hbm>>) dst(%dma_wait3A_251 : memref<128x32xf32, #tpu.memory_space<vmem>>)
      %dma_wait3A_258 = arith.constant 7 : i32
      %dma_wait3A_259 = arith.constant 896 : i32
      %dma_wait3A_260 = arith.constant 0 : i32
      %dma_wait3A_261 = tpu.memref_slice %arg6[%dma_wait3A_259, %dma_wait3A_260] : memref<2048x32xf32, #tpu.memory_space<vmem>> -> memref<128x32xf32, #tpu.memory_space<vmem>>
      %dma_wait3A_262 = arith.constant 0 : i32
      %dma_wait3A_263 = tpu.memref_slice %arg5[%dma_wait3A_258, %dma_wait3A_262] : memref<16x128xi32, #tpu.memory_space<vmem>> -> memref<1x128xi32, #tpu.memory_space<vmem>>
      %dma_wait3A_264 = tpu.memref_squeeze %dma_wait3A_263 : memref<1x128xi32, #tpu.memory_space<vmem>> -> memref<128xi32, #tpu.memory_space<vmem>>
      %dma_wait3A_265 = arith.constant 0 : i32
      %dma_wait3A_266 = arith.constant 0 : i32
      %dma_wait3A_267 = tpu.memref_slice %arg2[%dma_wait3A_265, %dma_wait3A_266] : memref<102400x32xf32, #tpu.memory_space<hbm>> -> memref<102400x32xf32, #tpu.memory_space<hbm>>
      tpu.wait_indirect_dma semaphore(%arg7 : memref<!tpu.dma_semaphore, #tpu.memory_space<semaphore_mem>>) src(%dma_wait3A_267 : memref<102400x32xf32, #tpu.memory_space<hbm>>) dst(%dma_wait3A_261 : memref<128x32xf32, #tpu.memory_space<vmem>>)
      %dma_wait3A_268 = arith.constant 8 : i32
      %dma_wait3A_269 = arith.constant 1024 : i32
      %dma_wait3A_270 = arith.constant 0 : i32
      %dma_wait3A_271 = tpu.memref_slice %arg6[%dma_wait3A_269, %dma_wait3A_270] : memref<2048x32xf32, #tpu.memory_space<vmem>> -> memref<128x32xf32, #tpu.memory_space<vmem>>
      %dma_wait3A_272 = arith.constant 0 : i32
      %dma_wait3A_273 = tpu.memref_slice %arg5[%dma_wait3A_268, %dma_wait3A_272] : memref<16x128xi32, #tpu.memory_space<vmem>> -> memref<1x128xi32, #tpu.memory_space<vmem>>
      %dma_wait3A_274 = tpu.memref_squeeze %dma_wait3A_273 : memref<1x128xi32, #tpu.memory_space<vmem>> -> memref<128xi32, #tpu.memory_space<vmem>>
      %dma_wait3A_275 = arith.constant 0 : i32
      %dma_wait3A_276 = arith.constant 0 : i32
      %dma_wait3A_277 = tpu.memref_slice %arg2[%dma_wait3A_275, %dma_wait3A_276] : memref<102400x32xf32, #tpu.memory_space<hbm>> -> memref<102400x32xf32, #tpu.memory_space<hbm>>
      tpu.wait_indirect_dma semaphore(%arg7 : memref<!tpu.dma_semaphore, #tpu.memory_space<semaphore_mem>>) src(%dma_wait3A_277 : memref<102400x32xf32, #tpu.memory_space<hbm>>) dst(%dma_wait3A_271 : memref<128x32xf32, #tpu.memory_space<vmem>>)
      %dma_wait3A_278 = arith.constant 9 : i32
      %dma_wait3A_279 = arith.constant 1152 : i32
      %dma_wait3A_280 = arith.constant 0 : i32
      %dma_wait3A_281 = tpu.memref_slice %arg6[%dma_wait3A_279, %dma_wait3A_280] : memref<2048x32xf32, #tpu.memory_space<vmem>> -> memref<128x32xf32, #tpu.memory_space<vmem>>
      %dma_wait3A_282 = arith.constant 0 : i32
      %dma_wait3A_283 = tpu.memref_slice %arg5[%dma_wait3A_278, %dma_wait3A_282] : memref<16x128xi32, #tpu.memory_space<vmem>> -> memref<1x128xi32, #tpu.memory_space<vmem>>
      %dma_wait3A_284 = tpu.memref_squeeze %dma_wait3A_283 : memref<1x128xi32, #tpu.memory_space<vmem>> -> memref<128xi32, #tpu.memory_space<vmem>>
      %dma_wait3A_285 = arith.constant 0 : i32
      %dma_wait3A_286 = arith.constant 0 : i32
      %dma_wait3A_287 = tpu.memref_slice %arg2[%dma_wait3A_285, %dma_wait3A_286] : memref<102400x32xf32, #tpu.memory_space<hbm>> -> memref<102400x32xf32, #tpu.memory_space<hbm>>
      tpu.wait_indirect_dma semaphore(%arg7 : memref<!tpu.dma_semaphore, #tpu.memory_space<semaphore_mem>>) src(%dma_wait3A_287 : memref<102400x32xf32, #tpu.memory_space<hbm>>) dst(%dma_wait3A_281 : memref<128x32xf32, #tpu.memory_space<vmem>>)
      %dma_wait3A_288 = arith.constant 10 : i32
      %dma_wait3A_289 = arith.constant 1280 : i32
      %dma_wait3A_290 = arith.constant 0 : i32
      %dma_wait3A_291 = tpu.memref_slice %arg6[%dma_wait3A_289, %dma_wait3A_290] : memref<2048x32xf32, #tpu.memory_space<vmem>> -> memref<128x32xf32, #tpu.memory_space<vmem>>
      %dma_wait3A_292 = arith.constant 0 : i32
      %dma_wait3A_293 = tpu.memref_slice %arg5[%dma_wait3A_288, %dma_wait3A_292] : memref<16x128xi32, #tpu.memory_space<vmem>> -> memref<1x128xi32, #tpu.memory_space<vmem>>
      %dma_wait3A_294 = tpu.memref_squeeze %dma_wait3A_293 : memref<1x128xi32, #tpu.memory_space<vmem>> -> memref<128xi32, #tpu.memory_space<vmem>>
      %dma_wait3A_295 = arith.constant 0 : i32
      %dma_wait3A_296 = arith.constant 0 : i32
      %dma_wait3A_297 = tpu.memref_slice %arg2[%dma_wait3A_295, %dma_wait3A_296] : memref<102400x32xf32, #tpu.memory_space<hbm>> -> memref<102400x32xf32, #tpu.memory_space<hbm>>
      tpu.wait_indirect_dma semaphore(%arg7 : memref<!tpu.dma_semaphore, #tpu.memory_space<semaphore_mem>>) src(%dma_wait3A_297 : memref<102400x32xf32, #tpu.memory_space<hbm>>) dst(%dma_wait3A_291 : memref<128x32xf32, #tpu.memory_space<vmem>>)
      %dma_wait3A_298 = arith.constant 11 : i32
      %dma_wait3A_299 = arith.constant 1408 : i32
      %dma_wait3A_300 = arith.constant 0 : i32
      %dma_wait3A_301 = tpu.memref_slice %arg6[%dma_wait3A_299, %dma_wait3A_300] : memref<2048x32xf32, #tpu.memory_space<vmem>> -> memref<128x32xf32, #tpu.memory_space<vmem>>
      %dma_wait3A_302 = arith.constant 0 : i32
      %dma_wait3A_303 = tpu.memref_slice %arg5[%dma_wait3A_298, %dma_wait3A_302] : memref<16x128xi32, #tpu.memory_space<vmem>> -> memref<1x128xi32, #tpu.memory_space<vmem>>
      %dma_wait3A_304 = tpu.memref_squeeze %dma_wait3A_303 : memref<1x128xi32, #tpu.memory_space<vmem>> -> memref<128xi32, #tpu.memory_space<vmem>>
      %dma_wait3A_305 = arith.constant 0 : i32
      %dma_wait3A_306 = arith.constant 0 : i32
      %dma_wait3A_307 = tpu.memref_slice %arg2[%dma_wait3A_305, %dma_wait3A_306] : memref<102400x32xf32, #tpu.memory_space<hbm>> -> memref<102400x32xf32, #tpu.memory_space<hbm>>
      tpu.wait_indirect_dma semaphore(%arg7 : memref<!tpu.dma_semaphore, #tpu.memory_space<semaphore_mem>>) src(%dma_wait3A_307 : memref<102400x32xf32, #tpu.memory_space<hbm>>) dst(%dma_wait3A_301 : memref<128x32xf32, #tpu.memory_space<vmem>>)
      %dma_wait3A_308 = arith.constant 12 : i32
      %dma_wait3A_309 = arith.constant 1536 : i32
      %dma_wait3A_310 = arith.constant 0 : i32
      %dma_wait3A_311 = tpu.memref_slice %arg6[%dma_wait3A_309, %dma_wait3A_310] : memref<2048x32xf32, #tpu.memory_space<vmem>> -> memref<128x32xf32, #tpu.memory_space<vmem>>
      %dma_wait3A_312 = arith.constant 0 : i32
      %dma_wait3A_313 = tpu.memref_slice %arg5[%dma_wait3A_308, %dma_wait3A_312] : memref<16x128xi32, #tpu.memory_space<vmem>> -> memref<1x128xi32, #tpu.memory_space<vmem>>
      %dma_wait3A_314 = tpu.memref_squeeze %dma_wait3A_313 : memref<1x128xi32, #tpu.memory_space<vmem>> -> memref<128xi32, #tpu.memory_space<vmem>>
      %dma_wait3A_315 = arith.constant 0 : i32
      %dma_wait3A_316 = arith.constant 0 : i32
      %dma_wait3A_317 = tpu.memref_slice %arg2[%dma_wait3A_315, %dma_wait3A_316] : memref<102400x32xf32, #tpu.memory_space<hbm>> -> memref<102400x32xf32, #tpu.memory_space<hbm>>
      tpu.wait_indirect_dma semaphore(%arg7 : memref<!tpu.dma_semaphore, #tpu.memory_space<semaphore_mem>>) src(%dma_wait3A_317 : memref<102400x32xf32, #tpu.memory_space<hbm>>) dst(%dma_wait3A_311 : memref<128x32xf32, #tpu.memory_space<vmem>>)
      %dma_wait3A_318 = arith.constant 13 : i32
      %dma_wait3A_319 = arith.constant 1664 : i32
      %dma_wait3A_320 = arith.constant 0 : i32
      %dma_wait3A_321 = tpu.memref_slice %arg6[%dma_wait3A_319, %dma_wait3A_320] : memref<2048x32xf32, #tpu.memory_space<vmem>> -> memref<128x32xf32, #tpu.memory_space<vmem>>
      %dma_wait3A_322 = arith.constant 0 : i32
      %dma_wait3A_323 = tpu.memref_slice %arg5[%dma_wait3A_318, %dma_wait3A_322] : memref<16x128xi32, #tpu.memory_space<vmem>> -> memref<1x128xi32, #tpu.memory_space<vmem>>
      %dma_wait3A_324 = tpu.memref_squeeze %dma_wait3A_323 : memref<1x128xi32, #tpu.memory_space<vmem>> -> memref<128xi32, #tpu.memory_space<vmem>>
      %dma_wait3A_325 = arith.constant 0 : i32
      %dma_wait3A_326 = arith.constant 0 : i32
      %dma_wait3A_327 = tpu.memref_slice %arg2[%dma_wait3A_325, %dma_wait3A_326] : memref<102400x32xf32, #tpu.memory_space<hbm>> -> memref<102400x32xf32, #tpu.memory_space<hbm>>
      tpu.wait_indirect_dma semaphore(%arg7 : memref<!tpu.dma_semaphore, #tpu.memory_space<semaphore_mem>>) src(%dma_wait3A_327 : memref<102400x32xf32, #tpu.memory_space<hbm>>) dst(%dma_wait3A_321 : memref<128x32xf32, #tpu.memory_space<vmem>>)
      %dma_wait3A_328 = arith.constant 14 : i32
      %dma_wait3A_329 = arith.constant 1792 : i32
      %dma_wait3A_330 = arith.constant 0 : i32
      %dma_wait3A_331 = tpu.memref_slice %arg6[%dma_wait3A_329, %dma_wait3A_330] : memref<2048x32xf32, #tpu.memory_space<vmem>> -> memref<128x32xf32, #tpu.memory_space<vmem>>
      %dma_wait3A_332 = arith.constant 0 : i32
      %dma_wait3A_333 = tpu.memref_slice %arg5[%dma_wait3A_328, %dma_wait3A_332] : memref<16x128xi32, #tpu.memory_space<vmem>> -> memref<1x128xi32, #tpu.memory_space<vmem>>
      %dma_wait3A_334 = tpu.memref_squeeze %dma_wait3A_333 : memref<1x128xi32, #tpu.memory_space<vmem>> -> memref<128xi32, #tpu.memory_space<vmem>>
      %dma_wait3A_335 = arith.constant 0 : i32
      %dma_wait3A_336 = arith.constant 0 : i32
      %dma_wait3A_337 = tpu.memref_slice %arg2[%dma_wait3A_335, %dma_wait3A_336] : memref<102400x32xf32, #tpu.memory_space<hbm>> -> memref<102400x32xf32, #tpu.memory_space<hbm>>
      tpu.wait_indirect_dma semaphore(%arg7 : memref<!tpu.dma_semaphore, #tpu.memory_space<semaphore_mem>>) src(%dma_wait3A_337 : memref<102400x32xf32, #tpu.memory_space<hbm>>) dst(%dma_wait3A_331 : memref<128x32xf32, #tpu.memory_space<vmem>>)
      %dma_wait3A_338 = arith.constant 15 : i32
      %dma_wait3A_339 = arith.constant 1920 : i32
      %dma_wait3A_340 = arith.constant 0 : i32
      %dma_wait3A_341 = tpu.memref_slice %arg6[%dma_wait3A_339, %dma_wait3A_340] : memref<2048x32xf32, #tpu.memory_space<vmem>> -> memref<128x32xf32, #tpu.memory_space<vmem>>
      %dma_wait3A_342 = arith.constant 0 : i32
      %dma_wait3A_343 = tpu.memref_slice %arg5[%dma_wait3A_338, %dma_wait3A_342] : memref<16x128xi32, #tpu.memory_space<vmem>> -> memref<1x128xi32, #tpu.memory_space<vmem>>
      %dma_wait3A_344 = tpu.memref_squeeze %dma_wait3A_343 : memref<1x128xi32, #tpu.memory_space<vmem>> -> memref<128xi32, #tpu.memory_space<vmem>>
      %dma_wait3A_345 = arith.constant 0 : i32
      %dma_wait3A_346 = arith.constant 0 : i32
      %dma_wait3A_347 = tpu.memref_slice %arg2[%dma_wait3A_345, %dma_wait3A_346] : memref<102400x32xf32, #tpu.memory_space<hbm>> -> memref<102400x32xf32, #tpu.memory_space<hbm>>
      tpu.wait_indirect_dma semaphore(%arg7 : memref<!tpu.dma_semaphore, #tpu.memory_space<semaphore_mem>>) src(%dma_wait3A_347 : memref<102400x32xf32, #tpu.memory_space<hbm>>) dst(%dma_wait3A_341 : memref<128x32xf32, #tpu.memory_space<vmem>>)
      "tpu.region"() ({
        %run_scoped3A = tpu.sem_alloc : memref<!tpu.dma_semaphore, #tpu.memory_space<semaphore_mem>>
        %dma_start3A_349 = arith.constant 0 : i32
        %dma_start3A_350 = tpu.memref_slice %arg4[%add3A_13, %dma_start3A_349] : memref<6553600x32xf32, #tpu.memory_space<hbm>> -> memref<2048x32xf32, #tpu.memory_space<hbm>>
        %dma_start3A_351 = arith.constant 0 : i32
        %dma_start3A_352 = tpu.memref_slice %arg4[%add3A_13, %dma_start3A_351] : memref<6553600x32xf32, #tpu.memory_space<hbm>> -> memref<2048x32xf32, #tpu.memory_space<hbm>>
        tpu.enqueue_dma source(%arg6 : memref<2048x32xf32, #tpu.memory_space<vmem>>) target(%dma_start3A_352 : memref<2048x32xf32, #tpu.memory_space<hbm>>) target_semaphore(%run_scoped3A : memref<!tpu.dma_semaphore, #tpu.memory_space<semaphore_mem>>)
        %dma_wait3A_353 = arith.constant 0 : i32
        %dma_wait3A_354 = tpu.memref_slice %arg4[%add3A_13, %dma_wait3A_353] : memref<6553600x32xf32, #tpu.memory_space<hbm>> -> memref<2048x32xf32, #tpu.memory_space<hbm>>
        %dma_wait3A_355 = arith.constant 0 : i32
        %dma_wait3A_356 = tpu.memref_slice %arg4[%add3A_13, %dma_wait3A_355] : memref<6553600x32xf32, #tpu.memory_space<hbm>> -> memref<2048x32xf32, #tpu.memory_space<hbm>>
        tpu.wait_dma2 semaphore(%run_scoped3A : memref<!tpu.dma_semaphore, #tpu.memory_space<semaphore_mem>>) src(%arg6 : memref<2048x32xf32, #tpu.memory_space<vmem>>) dst(%dma_wait3A_356 : memref<2048x32xf32, #tpu.memory_space<hbm>>)
        tpu.yield
      }) : () -> ()
      %scan3A_348 = arith.constant 0 : i32
      scf.yield %scan3A_348 : i32
    }
    %scan3A_6 = arith.constant 100 : i32
    return
  }
}

module attributes {stable_mosaic.version = 14 : i64} {
  func.func @_stage_a_body(%arg0: i32, %arg1: memref<256x256xf32, #tpu.memory_space<vmem>>, %arg2: memref<256x2x3xf32, #tpu.memory_space<vmem>>, %arg3: memref<256x256xf32, #tpu.memory_space<vmem>>, %arg4: memref<256xf32, #tpu.memory_space<vmem>>, %arg5: memref<256x64xf32, #tpu.memory_space<vmem>>, %arg6: memref<64xf32, #tpu.memory_space<vmem>>, %arg7: memref<256x64xf32, #tpu.memory_space<vmem>>, %arg8: memref<64xf32, #tpu.memory_space<vmem>>, %arg9: memref<256x64xf32, #tpu.memory_space<vmem>>, %arg10: memref<64xf32, #tpu.memory_space<vmem>>, %arg11: memref<256x64xf32, #tpu.memory_space<vmem>>, %arg12: memref<64xf32, #tpu.memory_space<vmem>>, %arg13: memref<256x256xf32, #tpu.memory_space<vmem>>, %arg14: memref<256x512xi32, #tpu.memory_space<vmem>>, %arg15: memref<256x512xf32, #tpu.memory_space<vmem>>) attributes {dimension_semantics = [#tpu.dimension_semantics<arbitrary>], iteration_bounds = array<i64: 50>, scalar_prefetch = 0 : i64, scratch_operands = 0 : i64, tpu.core_type = #tpu.core_type<tc>, window_params = [{transform_indices = @transform_0, window_bounds = array<i64: 256, 256>}, {transform_indices = @transform_1, window_bounds = array<i64: 256, 2, 3>}, {pipeline_mode = #tpu.pipeline_mode<synchronous>, transform_indices = @transform_2, window_bounds = array<i64: 256, 256>}, {pipeline_mode = #tpu.pipeline_mode<synchronous>, transform_indices = @transform_3, window_bounds = array<i64: 256>}, {pipeline_mode = #tpu.pipeline_mode<synchronous>, transform_indices = @transform_4, window_bounds = array<i64: 256, 64>}, {pipeline_mode = #tpu.pipeline_mode<synchronous>, transform_indices = @transform_5, window_bounds = array<i64: 64>}, {pipeline_mode = #tpu.pipeline_mode<synchronous>, transform_indices = @transform_6, window_bounds = array<i64: 256, 64>}, {pipeline_mode = #tpu.pipeline_mode<synchronous>, transform_indices = @transform_7, window_bounds = array<i64: 64>}, {pipeline_mode = #tpu.pipeline_mode<synchronous>, transform_indices = @transform_8, window_bounds = array<i64: 256, 64>}, {pipeline_mode = #tpu.pipeline_mode<synchronous>, transform_indices = @transform_9, window_bounds = array<i64: 64>}, {pipeline_mode = #tpu.pipeline_mode<synchronous>, transform_indices = @transform_10, window_bounds = array<i64: 256, 64>}, {pipeline_mode = #tpu.pipeline_mode<synchronous>, transform_indices = @transform_11, window_bounds = array<i64: 64>}, {transform_indices = @transform_12, window_bounds = array<i64: 256, 256>}, {transform_indices = @transform_13, window_bounds = array<i64: 256, 512>}, {transform_indices = @transform_14, window_bounds = array<i64: 256, 512>}]} {
    %get3A = arith.constant 0 : index
    %get3A_0 = arith.constant 0 : index
    %get3A_1 = vector.load %arg1[%get3A, %get3A_0] : memref<256x256xf32, #tpu.memory_space<vmem>>, vector<256x256xf32>
    %get3A_2 = arith.constant 0 : index
    %get3A_3 = arith.constant 0 : index
    %get3A_4 = vector.load %arg3[%get3A_2, %get3A_3] : memref<256x256xf32, #tpu.memory_space<vmem>>, vector<256x256xf32>
    %dot_general3A = arith.constant dense<0.000000e+00> : vector<256x256xf32>
    %dot_general3A_5 = tpu.matmul %get3A_1, %get3A_4, %dot_general3A {dimension_numbers = #tpu.dot_dimension_numbers<[1], [0], [0], [1], [0, 0, 1, 1], [], []>, precision = #tpu.contract_precision<fp32>, transpose_lhs_hint = false} : vector<256x256xf32>, vector<256x256xf32>, vector<256x256xf32> -> vector<256x256xf32>
    %get3A_6 = arith.constant 0 : index
    %get3A_7 = vector.load %arg4[%get3A_6] : memref<256xf32, #tpu.memory_space<vmem>>, vector<256xf32>
    %broadcast_in_dim3A = vector.shape_cast %get3A_7 : vector<256xf32> to vector<1x256xf32>
    %add3A = vector.broadcast %broadcast_in_dim3A : vector<1x256xf32> to vector<256x256xf32>
    %add3A_8 = arith.addf %dot_general3A_5, %add3A : vector<256x256xf32>
    %swap3A = arith.constant 0 : index
    %swap3A_9 = arith.constant 0 : index
    %swap3A_10 = vector.load %arg13[%swap3A, %swap3A_9] : memref<256x256xf32, #tpu.memory_space<vmem>>, vector<256x256xf32>
    tpu.vector_store %arg13[%swap3A, %swap3A_9], %add3A_8 {strides = array<i32>} : memref<256x256xf32, #tpu.memory_space<vmem>>, vector<256x256xf32>,
    %get3A_11 = arith.constant 0 : index
    %get3A_12 = arith.constant 0 : index
    %get3A_13 = vector.load %arg11[%get3A_11, %get3A_12] : memref<256x64xf32, #tpu.memory_space<vmem>>, vector<256x64xf32>
    %dot_general3A_14 = arith.constant dense<0.000000e+00> : vector<256x64xf32>
    %dot_general3A_15 = tpu.matmul %get3A_1, %get3A_13, %dot_general3A_14 {dimension_numbers = #tpu.dot_dimension_numbers<[1], [0], [0], [1], [0, 0, 1, 1], [], []>, precision = #tpu.contract_precision<fp32>, transpose_lhs_hint = false} : vector<256x256xf32>, vector<256x64xf32>, vector<256x64xf32> -> vector<256x64xf32>
    %get3A_16 = arith.constant 0 : index
    %get3A_17 = vector.load %arg12[%get3A_16] : memref<64xf32, #tpu.memory_space<vmem>>, vector<64xf32>
    %broadcast_in_dim3A_18 = vector.shape_cast %get3A_17 : vector<64xf32> to vector<1x64xf32>
    %add3A_19 = vector.broadcast %broadcast_in_dim3A_18 : vector<1x64xf32> to vector<256x64xf32>
    %add3A_20 = arith.addf %dot_general3A_15, %add3A_19 : vector<256x64xf32>
    %reduce_max3A = arith.constant dense<0xFF800000> : vector<256xf32>
    %reduce_max3A_21 = vector.multi_reduction <maximumf>, %add3A_20, %reduce_max3A [1] : vector<256x64xf32> to vector<256xf32>
    %broadcast_in_dim3A_22 = vector.shape_cast %reduce_max3A_21 : vector<256xf32> to vector<256x1xf32>
    %sub3A = vector.broadcast %broadcast_in_dim3A_22 : vector<256x1xf32> to vector<256x64xf32>
    %sub3A_23 = arith.subf %add3A_20, %sub3A : vector<256x64xf32>
    %exp3A = math.exp %sub3A_23 : vector<256x64xf32>
    %iota3A = tpu.iota {dimensions = array<i32: 0>} : vector<64x64xi32>
    %jit3A = arith.constant 4 : i32
    %div3A = vector.broadcast %jit3A : i32 to vector<64x64xi32>
    %div3A_24 = arith.divsi %iota3A, %div3A : vector<64x64xi32>
    %sign3A = arith.constant 0 : i32
    %sign3A_25 = vector.broadcast %sign3A : i32 to vector<64x64xi32>
    %sign3A_26 = arith.cmpi sgt, %iota3A, %sign3A_25 : vector<64x64xi32>
    %sign3A_27 = arith.extui %sign3A_26 : vector<64x64xi1> to vector<64x64xi32>
    %sign3A_28 = arith.constant 0 : i32
    %sign3A_29 = vector.broadcast %sign3A_28 : i32 to vector<64x64xi32>
    %sign3A_30 = arith.cmpi slt, %iota3A, %sign3A_29 : vector<64x64xi32>
    %sign3A_31 = arith.extui %sign3A_30 : vector<64x64xi1> to vector<64x64xi32>
    %sign3A_32 = arith.subi %sign3A_27, %sign3A_31 : vector<64x64xi32>
    %sign3A_33 = arith.constant 0 : i32
    %sign3A_34 = arith.cmpi sgt, %jit3A, %sign3A_33 : i32
    %sign3A_35 = arith.extui %sign3A_34 : i1 to i32
    %sign3A_36 = arith.constant 0 : i32
    %sign3A_37 = arith.cmpi slt, %jit3A, %sign3A_36 : i32
    %sign3A_38 = arith.extui %sign3A_37 : i1 to i32
    %sign3A_39 = arith.subi %sign3A_35, %sign3A_38 : i32
    %ne3A = vector.broadcast %sign3A_39 : i32 to vector<64x64xi32>
    %ne3A_40 = arith.cmpi ne, %sign3A_32, %ne3A : vector<64x64xi32>
    %rem3A = vector.broadcast %jit3A : i32 to vector<64x64xi32>
    %rem3A_41 = arith.remsi %iota3A, %rem3A : vector<64x64xi32>
    %ne3A_42 = arith.constant 0 : i32
    %ne3A_43 = vector.broadcast %ne3A_42 : i32 to vector<64x64xi32>
    %ne3A_44 = arith.cmpi ne, %rem3A_41, %ne3A_43 : vector<64x64xi32>
    %and3A = arith.andi %ne3A_40, %ne3A_44 : vector<64x64xi1>
    %sub3A_45 = arith.constant 1 : i32
    %sub3A_46 = vector.broadcast %sub3A_45 : i32 to vector<64x64xi32>
    %sub3A_47 = arith.subi %div3A_24, %sub3A_46 : vector<64x64xi32>
    %select_n3A = arith.select %and3A, %sub3A_47, %div3A_24 : vector<64x64xi1>, vector<64x64xi32>
    %iota3A_48 = tpu.iota {dimensions = array<i32: 1>} : vector<64x64xi32>
    %jit3A_49 = arith.constant 4 : i32
    %div3A_50 = vector.broadcast %jit3A_49 : i32 to vector<64x64xi32>
    %div3A_51 = arith.divsi %iota3A_48, %div3A_50 : vector<64x64xi32>
    %sign3A_52 = arith.constant 0 : i32
    %sign3A_53 = vector.broadcast %sign3A_52 : i32 to vector<64x64xi32>
    %sign3A_54 = arith.cmpi sgt, %iota3A_48, %sign3A_53 : vector<64x64xi32>
    %sign3A_55 = arith.extui %sign3A_54 : vector<64x64xi1> to vector<64x64xi32>
    %sign3A_56 = arith.constant 0 : i32
    %sign3A_57 = vector.broadcast %sign3A_56 : i32 to vector<64x64xi32>
    %sign3A_58 = arith.cmpi slt, %iota3A_48, %sign3A_57 : vector<64x64xi32>
    %sign3A_59 = arith.extui %sign3A_58 : vector<64x64xi1> to vector<64x64xi32>
    %sign3A_60 = arith.subi %sign3A_55, %sign3A_59 : vector<64x64xi32>
    %sign3A_61 = arith.constant 0 : i32
    %sign3A_62 = arith.cmpi sgt, %jit3A_49, %sign3A_61 : i32
    %sign3A_63 = arith.extui %sign3A_62 : i1 to i32
    %sign3A_64 = arith.constant 0 : i32
    %sign3A_65 = arith.cmpi slt, %jit3A_49, %sign3A_64 : i32
    %sign3A_66 = arith.extui %sign3A_65 : i1 to i32
    %sign3A_67 = arith.subi %sign3A_63, %sign3A_66 : i32
    %ne3A_68 = vector.broadcast %sign3A_67 : i32 to vector<64x64xi32>
    %ne3A_69 = arith.cmpi ne, %sign3A_60, %ne3A_68 : vector<64x64xi32>
    %rem3A_70 = vector.broadcast %jit3A_49 : i32 to vector<64x64xi32>
    %rem3A_71 = arith.remsi %iota3A_48, %rem3A_70 : vector<64x64xi32>
    %ne3A_72 = arith.constant 0 : i32
    %ne3A_73 = vector.broadcast %ne3A_72 : i32 to vector<64x64xi32>
    %ne3A_74 = arith.cmpi ne, %rem3A_71, %ne3A_73 : vector<64x64xi32>
    %and3A_75 = arith.andi %ne3A_69, %ne3A_74 : vector<64x64xi1>
    %sub3A_76 = arith.constant 1 : i32
    %sub3A_77 = vector.broadcast %sub3A_76 : i32 to vector<64x64xi32>
    %sub3A_78 = arith.subi %div3A_51, %sub3A_77 : vector<64x64xi32>
    %select_n3A_79 = arith.select %and3A_75, %sub3A_78, %div3A_51 : vector<64x64xi1>, vector<64x64xi32>
    %eq3A = arith.cmpi eq, %select_n3A, %select_n3A_79 : vector<64x64xi32>
    %convert_element_type3A = arith.extui %eq3A : vector<64x64xi1> to vector<64x64xi32>
    %convert_element_type3A_80 = arith.sitofp %convert_element_type3A : vector<64x64xi32> to vector<64x64xf32>
    %dot_general3A_81 = arith.constant dense<0.000000e+00> : vector<256x64xf32>
    %dot_general3A_82 = tpu.matmul %exp3A, %convert_element_type3A_80, %dot_general3A_81 {dimension_numbers = #tpu.dot_dimension_numbers<[1], [0], [0], [1], [0, 0, 1, 1], [], []>, precision = #tpu.contract_precision<fp32>, transpose_lhs_hint = false} : vector<256x64xf32>, vector<64x64xf32>, vector<256x64xf32> -> vector<256x64xf32>
    %div3A_83 = arith.divf %exp3A, %dot_general3A_82 : vector<256x64xf32>
    %get3A_84 = arith.constant 0 : index
    %get3A_85 = arith.constant 0 : index
    %get3A_86 = arith.constant 0 : index
    %get3A_87 = vector.load %arg2[%get3A_84, %get3A_85, %get3A_86] : memref<256x2x3xf32, #tpu.memory_space<vmem>>, vector<256x2x3xf32>
    %iota3A_88 = tpu.iota {dimensions = array<i32: 0>} : vector<2x64xi32>
    %iota3A_89 = tpu.iota {dimensions = array<i32: 1>} : vector<2x64xi32>
    %jit3A_90 = arith.constant 32 : i32
    %div3A_91 = vector.broadcast %jit3A_90 : i32 to vector<2x64xi32>
    %div3A_92 = arith.divsi %iota3A_89, %div3A_91 : vector<2x64xi32>
    %sign3A_93 = arith.constant 0 : i32
    %sign3A_94 = vector.broadcast %sign3A_93 : i32 to vector<2x64xi32>
    %sign3A_95 = arith.cmpi sgt, %iota3A_89, %sign3A_94 : vector<2x64xi32>
    %sign3A_96 = arith.extui %sign3A_95 : vector<2x64xi1> to vector<2x64xi32>
    %sign3A_97 = arith.constant 0 : i32
    %sign3A_98 = vector.broadcast %sign3A_97 : i32 to vector<2x64xi32>
    %sign3A_99 = arith.cmpi slt, %iota3A_89, %sign3A_98 : vector<2x64xi32>
    %sign3A_100 = arith.extui %sign3A_99 : vector<2x64xi1> to vector<2x64xi32>
    %sign3A_101 = arith.subi %sign3A_96, %sign3A_100 : vector<2x64xi32>
    %sign3A_102 = arith.constant 0 : i32
    %sign3A_103 = arith.cmpi sgt, %jit3A_90, %sign3A_102 : i32
    %sign3A_104 = arith.extui %sign3A_103 : i1 to i32
    %sign3A_105 = arith.constant 0 : i32
    %sign3A_106 = arith.cmpi slt, %jit3A_90, %sign3A_105 : i32
    %sign3A_107 = arith.extui %sign3A_106 : i1 to i32
    %sign3A_108 = arith.subi %sign3A_104, %sign3A_107 : i32
    %ne3A_109 = vector.broadcast %sign3A_108 : i32 to vector<2x64xi32>
    %ne3A_110 = arith.cmpi ne, %sign3A_101, %ne3A_109 : vector<2x64xi32>
    %rem3A_111 = vector.broadcast %jit3A_90 : i32 to vector<2x64xi32>
    %rem3A_112 = arith.remsi %iota3A_89, %rem3A_111 : vector<2x64xi32>
    %ne3A_113 = arith.constant 0 : i32
    %ne3A_114 = vector.broadcast %ne3A_113 : i32 to vector<2x64xi32>
    %ne3A_115 = arith.cmpi ne, %rem3A_112, %ne3A_114 : vector<2x64xi32>
    %and3A_116 = arith.andi %ne3A_110, %ne3A_115 : vector<2x64xi1>
    %sub3A_117 = arith.constant 1 : i32
    %sub3A_118 = vector.broadcast %sub3A_117 : i32 to vector<2x64xi32>
    %sub3A_119 = arith.subi %div3A_92, %sub3A_118 : vector<2x64xi32>
    %select_n3A_120 = arith.select %and3A_116, %sub3A_119, %div3A_92 : vector<2x64xi1>, vector<2x64xi32>
    %eq3A_121 = arith.cmpi eq, %iota3A_88, %select_n3A_120 : vector<2x64xi32>
    %convert_element_type3A_122 = arith.extui %eq3A_121 : vector<2x64xi1> to vector<2x64xi32>
    %convert_element_type3A_123 = arith.sitofp %convert_element_type3A_122 : vector<2x64xi32> to vector<2x64xf32>
    %slice3A = vector.extract_strided_slice %get3A_87 {offsets = [0, 0, 0], sizes = [256, 2, 1], strides = [1, 1, 1]} : vector<256x2x3xf32> to vector<256x2x1xf32>
    %squeeze3A = vector.shape_cast %slice3A : vector<256x2x1xf32> to vector<256x2xf32>
    %dot_general3A_124 = arith.constant dense<0.000000e+00> : vector<256x64xf32>
    %dot_general3A_125 = tpu.matmul %squeeze3A, %convert_element_type3A_123, %dot_general3A_124 {dimension_numbers = #tpu.dot_dimension_numbers<[1], [0], [0], [1], [0, 0, 1, 1], [], []>, precision = #tpu.contract_precision<fp32>, transpose_lhs_hint = false} : vector<256x2xf32>, vector<2x64xf32>, vector<256x64xf32> -> vector<256x64xf32>
    %slice3A_126 = vector.extract_strided_slice %get3A_87 {offsets = [0, 0, 1], sizes = [256, 2, 1], strides = [1, 1, 1]} : vector<256x2x3xf32> to vector<256x2x1xf32>
    %squeeze3A_127 = vector.shape_cast %slice3A_126 : vector<256x2x1xf32> to vector<256x2xf32>
    %dot_general3A_128 = arith.constant dense<0.000000e+00> : vector<256x64xf32>
    %dot_general3A_129 = tpu.matmul %squeeze3A_127, %convert_element_type3A_123, %dot_general3A_128 {dimension_numbers = #tpu.dot_dimension_numbers<[1], [0], [0], [1], [0, 0, 1, 1], [], []>, precision = #tpu.contract_precision<fp32>, transpose_lhs_hint = false} : vector<256x2xf32>, vector<2x64xf32>, vector<256x64xf32> -> vector<256x64xf32>
    %slice3A_130 = vector.extract_strided_slice %get3A_87 {offsets = [0, 0, 2], sizes = [256, 2, 1], strides = [1, 1, 1]} : vector<256x2x3xf32> to vector<256x2x1xf32>
    %squeeze3A_131 = vector.shape_cast %slice3A_130 : vector<256x2x1xf32> to vector<256x2xf32>
    %dot_general3A_132 = arith.constant dense<0.000000e+00> : vector<256x64xf32>
    %dot_general3A_133 = tpu.matmul %squeeze3A_131, %convert_element_type3A_123, %dot_general3A_132 {dimension_numbers = #tpu.dot_dimension_numbers<[1], [0], [0], [1], [0, 0, 1, 1], [], []>, precision = #tpu.contract_precision<fp32>, transpose_lhs_hint = false} : vector<256x2xf32>, vector<2x64xf32>, vector<256x64xf32> -> vector<256x64xf32>
    %mul3A = arith.constant 4.000000e+01 : f32
    %mul3A_134 = vector.broadcast %mul3A : f32 to vector<256x64xf32>
    %mul3A_135 = arith.mulf %dot_general3A_125, %mul3A_134 : vector<256x64xf32>
    %get3A_136 = arith.constant 0 : index
    %get3A_137 = arith.constant 0 : index
    %get3A_138 = vector.load %arg5[%get3A_136, %get3A_137] : memref<256x64xf32, #tpu.memory_space<vmem>>, vector<256x64xf32>
    %dot_general3A_139 = arith.constant dense<0.000000e+00> : vector<256x64xf32>
    %dot_general3A_140 = tpu.matmul %get3A_1, %get3A_138, %dot_general3A_139 {dimension_numbers = #tpu.dot_dimension_numbers<[1], [0], [0], [1], [0, 0, 1, 1], [], []>, precision = #tpu.contract_precision<fp32>, transpose_lhs_hint = false} : vector<256x256xf32>, vector<256x64xf32>, vector<256x64xf32> -> vector<256x64xf32>
    %add3A_141 = arith.addf %mul3A_135, %dot_general3A_140 : vector<256x64xf32>
    %get3A_142 = arith.constant 0 : index
    %get3A_143 = vector.load %arg6[%get3A_142] : memref<64xf32, #tpu.memory_space<vmem>>, vector<64xf32>
    %broadcast_in_dim3A_144 = vector.shape_cast %get3A_143 : vector<64xf32> to vector<1x64xf32>
    %add3A_145 = vector.broadcast %broadcast_in_dim3A_144 : vector<1x64xf32> to vector<256x64xf32>
    %add3A_146 = arith.addf %add3A_141, %add3A_145 : vector<256x64xf32>
    %sub3A_147 = arith.constant 5.000000e-01 : f32
    %sub3A_148 = vector.broadcast %sub3A_147 : f32 to vector<256x64xf32>
    %sub3A_149 = arith.subf %add3A_146, %sub3A_148 : vector<256x64xf32>
    %mul3A_150 = arith.constant 4.000000e+01 : f32
    %mul3A_151 = vector.broadcast %mul3A_150 : f32 to vector<256x64xf32>
    %mul3A_152 = arith.mulf %dot_general3A_129, %mul3A_151 : vector<256x64xf32>
    %get3A_153 = arith.constant 0 : index
    %get3A_154 = arith.constant 0 : index
    %get3A_155 = vector.load %arg7[%get3A_153, %get3A_154] : memref<256x64xf32, #tpu.memory_space<vmem>>, vector<256x64xf32>
    %dot_general3A_156 = arith.constant dense<0.000000e+00> : vector<256x64xf32>
    %dot_general3A_157 = tpu.matmul %get3A_1, %get3A_155, %dot_general3A_156 {dimension_numbers = #tpu.dot_dimension_numbers<[1], [0], [0], [1], [0, 0, 1, 1], [], []>, precision = #tpu.contract_precision<fp32>, transpose_lhs_hint = false} : vector<256x256xf32>, vector<256x64xf32>, vector<256x64xf32> -> vector<256x64xf32>
    %add3A_158 = arith.addf %mul3A_152, %dot_general3A_157 : vector<256x64xf32>
    %get3A_159 = arith.constant 0 : index
    %get3A_160 = vector.load %arg8[%get3A_159] : memref<64xf32, #tpu.memory_space<vmem>>, vector<64xf32>
    %broadcast_in_dim3A_161 = vector.shape_cast %get3A_160 : vector<64xf32> to vector<1x64xf32>
    %add3A_162 = vector.broadcast %broadcast_in_dim3A_161 : vector<1x64xf32> to vector<256x64xf32>
    %add3A_163 = arith.addf %add3A_158, %add3A_162 : vector<256x64xf32>
    %sub3A_164 = arith.constant 5.000000e-01 : f32
    %sub3A_165 = vector.broadcast %sub3A_164 : f32 to vector<256x64xf32>
    %sub3A_166 = arith.subf %add3A_163, %sub3A_165 : vector<256x64xf32>
    %mul3A_167 = arith.constant 8.000000e+00 : f32
    %mul3A_168 = vector.broadcast %mul3A_167 : f32 to vector<256x64xf32>
    %mul3A_169 = arith.mulf %dot_general3A_133, %mul3A_168 : vector<256x64xf32>
    %get3A_170 = arith.constant 0 : index
    %get3A_171 = arith.constant 0 : index
    %get3A_172 = vector.load %arg9[%get3A_170, %get3A_171] : memref<256x64xf32, #tpu.memory_space<vmem>>, vector<256x64xf32>
    %dot_general3A_173 = arith.constant dense<0.000000e+00> : vector<256x64xf32>
    %dot_general3A_174 = tpu.matmul %get3A_1, %get3A_172, %dot_general3A_173 {dimension_numbers = #tpu.dot_dimension_numbers<[1], [0], [0], [1], [0, 0, 1, 1], [], []>, precision = #tpu.contract_precision<fp32>, transpose_lhs_hint = false} : vector<256x256xf32>, vector<256x64xf32>, vector<256x64xf32> -> vector<256x64xf32>
    %add3A_175 = arith.addf %mul3A_169, %dot_general3A_174 : vector<256x64xf32>
    %get3A_176 = arith.constant 0 : index
    %get3A_177 = vector.load %arg10[%get3A_176] : memref<64xf32, #tpu.memory_space<vmem>>, vector<64xf32>
    %broadcast_in_dim3A_178 = vector.shape_cast %get3A_177 : vector<64xf32> to vector<1x64xf32>
    %add3A_179 = vector.broadcast %broadcast_in_dim3A_178 : vector<1x64xf32> to vector<256x64xf32>
    %add3A_180 = arith.addf %add3A_175, %add3A_179 : vector<256x64xf32>
    %sub3A_181 = arith.constant 5.000000e-01 : f32
    %sub3A_182 = vector.broadcast %sub3A_181 : f32 to vector<256x64xf32>
    %sub3A_183 = arith.subf %add3A_180, %sub3A_182 : vector<256x64xf32>
    %floor3A = math.floor %sub3A_149 : vector<256x64xf32>
    %floor3A_184 = math.floor %sub3A_166 : vector<256x64xf32>
    %floor3A_185 = math.floor %sub3A_183 : vector<256x64xf32>
    %convert_element_type3A_186 = arith.fptosi %floor3A : vector<256x64xf32> to vector<256x64xi32>
    %convert_element_type3A_187 = arith.fptosi %floor3A_184 : vector<256x64xf32> to vector<256x64xi32>
    %convert_element_type3A_188 = arith.fptosi %floor3A_185 : vector<256x64xf32> to vector<256x64xi32>
    %sub3A_189 = arith.subf %sub3A_149, %floor3A : vector<256x64xf32>
    %sub3A_190 = arith.subf %sub3A_166, %floor3A_184 : vector<256x64xf32>
    %sub3A_191 = arith.subf %sub3A_183, %floor3A_185 : vector<256x64xf32>
    %iota3A_192 = tpu.iota {dimensions = array<i32: 1>} : vector<256x64xi32>
    %jit3A_193 = arith.constant 32 : i32
    %eq3A_194 = arith.constant 0 : i32
    %eq3A_195 = arith.cmpi eq, %jit3A_193, %eq3A_194 : i32
    %jit3A_196 = arith.constant 1 : i32
    %select_n3A_197 = arith.select %eq3A_195, %jit3A_196, %jit3A_193 : i32
    %rem3A_198 = vector.broadcast %select_n3A_197 : i32 to vector<256x64xi32>
    %rem3A_199 = arith.remsi %iota3A_192, %rem3A_198 : vector<256x64xi32>
    %ne3A_200 = arith.constant 0 : i32
    %ne3A_201 = vector.broadcast %ne3A_200 : i32 to vector<256x64xi32>
    %ne3A_202 = arith.cmpi ne, %rem3A_199, %ne3A_201 : vector<256x64xi32>
    %lt3A = arith.constant 0 : i32
    %lt3A_203 = vector.broadcast %lt3A : i32 to vector<256x64xi32>
    %lt3A_204 = arith.cmpi slt, %rem3A_199, %lt3A_203 : vector<256x64xi32>
    %lt3A_205 = arith.constant 0 : i32
    %lt3A_206 = arith.cmpi slt, %select_n3A_197, %lt3A_205 : i32
    %ne3A_207 = vector.broadcast %lt3A_206 : i1 to vector<256x64xi1>
    %ne3A_208 = vector.broadcast %ne3A_207 : vector<256x64xi1> to vector<256x64xi1>
    %ne3A_209 = arith.xori %lt3A_204, %ne3A_208 : vector<256x64xi1>
    %and3A_210 = arith.andi %ne3A_209, %ne3A_202 : vector<256x64xi1>
    %add3A_211 = vector.broadcast %select_n3A_197 : i32 to vector<256x64xi32>
    %add3A_212 = arith.addi %rem3A_199, %add3A_211 : vector<256x64xi32>
    %select_n3A_213 = arith.select %and3A_210, %add3A_212, %rem3A_199 : vector<256x64xi1>, vector<256x64xi32>
    %jit3A_214 = arith.constant 4 : i32
    %div3A_215 = vector.broadcast %jit3A_214 : i32 to vector<256x64xi32>
    %div3A_216 = arith.divsi %select_n3A_213, %div3A_215 : vector<256x64xi32>
    %sign3A_217 = arith.constant 0 : i32
    %sign3A_218 = vector.broadcast %sign3A_217 : i32 to vector<256x64xi32>
    %sign3A_219 = arith.cmpi sgt, %select_n3A_213, %sign3A_218 : vector<256x64xi32>
    %sign3A_220 = arith.extui %sign3A_219 : vector<256x64xi1> to vector<256x64xi32>
    %sign3A_221 = arith.constant 0 : i32
    %sign3A_222 = vector.broadcast %sign3A_221 : i32 to vector<256x64xi32>
    %sign3A_223 = arith.cmpi slt, %select_n3A_213, %sign3A_222 : vector<256x64xi32>
    %sign3A_224 = arith.extui %sign3A_223 : vector<256x64xi1> to vector<256x64xi32>
    %sign3A_225 = arith.subi %sign3A_220, %sign3A_224 : vector<256x64xi32>
    %sign3A_226 = arith.constant 0 : i32
    %sign3A_227 = arith.cmpi sgt, %jit3A_214, %sign3A_226 : i32
    %sign3A_228 = arith.extui %sign3A_227 : i1 to i32
    %sign3A_229 = arith.constant 0 : i32
    %sign3A_230 = arith.cmpi slt, %jit3A_214, %sign3A_229 : i32
    %sign3A_231 = arith.extui %sign3A_230 : i1 to i32
    %sign3A_232 = arith.subi %sign3A_228, %sign3A_231 : i32
    %ne3A_233 = vector.broadcast %sign3A_232 : i32 to vector<256x64xi32>
    %ne3A_234 = arith.cmpi ne, %sign3A_225, %ne3A_233 : vector<256x64xi32>
    %rem3A_235 = vector.broadcast %jit3A_214 : i32 to vector<256x64xi32>
    %rem3A_236 = arith.remsi %select_n3A_213, %rem3A_235 : vector<256x64xi32>
    %ne3A_237 = arith.constant 0 : i32
    %ne3A_238 = vector.broadcast %ne3A_237 : i32 to vector<256x64xi32>
    %ne3A_239 = arith.cmpi ne, %rem3A_236, %ne3A_238 : vector<256x64xi32>
    %and3A_240 = arith.andi %ne3A_234, %ne3A_239 : vector<256x64xi1>
    %sub3A_241 = arith.constant 1 : i32
    %sub3A_242 = vector.broadcast %sub3A_241 : i32 to vector<256x64xi32>
    %sub3A_243 = arith.subi %div3A_216, %sub3A_242 : vector<256x64xi32>
    %select_n3A_244 = arith.select %and3A_240, %sub3A_243, %div3A_216 : vector<256x64xi1>, vector<256x64xi32>
    %add3A_245 = arith.constant 0 : i32
    %add3A_246 = vector.broadcast %add3A_245 : i32 to vector<256x64xi32>
    %add3A_247 = arith.addi %convert_element_type3A_186, %add3A_246 : vector<256x64xi32>
    %add3A_248 = arith.constant 0 : i32
    %add3A_249 = vector.broadcast %add3A_248 : i32 to vector<256x64xi32>
    %add3A_250 = arith.addi %convert_element_type3A_187, %add3A_249 : vector<256x64xi32>
    %add3A_251 = arith.constant 0 : i32
    %add3A_252 = vector.broadcast %add3A_251 : i32 to vector<256x64xi32>
    %add3A_253 = arith.addi %convert_element_type3A_188, %add3A_252 : vector<256x64xi32>
    %sub3A_254 = arith.constant 1.000000e+00 : f32
    %sub3A_255 = vector.broadcast %sub3A_254 : f32 to vector<256x64xf32>
    %sub3A_256 = arith.subf %sub3A_255, %sub3A_189 : vector<256x64xf32>
    %sub3A_257 = arith.constant 1.000000e+00 : f32
    %sub3A_258 = vector.broadcast %sub3A_257 : f32 to vector<256x64xf32>
    %sub3A_259 = arith.subf %sub3A_258, %sub3A_190 : vector<256x64xf32>
    %mul3A_260 = arith.mulf %sub3A_256, %sub3A_259 : vector<256x64xf32>
    %sub3A_261 = arith.constant 1.000000e+00 : f32
    %sub3A_262 = vector.broadcast %sub3A_261 : f32 to vector<256x64xf32>
    %sub3A_263 = arith.subf %sub3A_262, %sub3A_191 : vector<256x64xf32>
    %mul3A_264 = arith.mulf %mul3A_260, %sub3A_263 : vector<256x64xf32>
    %ge3A = arith.constant 0 : i32
    %ge3A_265 = vector.broadcast %ge3A : i32 to vector<256x64xi32>
    %ge3A_266 = arith.cmpi sge, %add3A_247, %ge3A_265 : vector<256x64xi32>
    %lt3A_267 = arith.constant 40 : i32
    %lt3A_268 = vector.broadcast %lt3A_267 : i32 to vector<256x64xi32>
    %lt3A_269 = arith.cmpi slt, %add3A_247, %lt3A_268 : vector<256x64xi32>
    %and3A_270 = arith.andi %ge3A_266, %lt3A_269 : vector<256x64xi1>
    %ge3A_271 = arith.constant 0 : i32
    %ge3A_272 = vector.broadcast %ge3A_271 : i32 to vector<256x64xi32>
    %ge3A_273 = arith.cmpi sge, %add3A_250, %ge3A_272 : vector<256x64xi32>
    %and3A_274 = arith.andi %and3A_270, %ge3A_273 : vector<256x64xi1>
    %lt3A_275 = arith.constant 40 : i32
    %lt3A_276 = vector.broadcast %lt3A_275 : i32 to vector<256x64xi32>
    %lt3A_277 = arith.cmpi slt, %add3A_250, %lt3A_276 : vector<256x64xi32>
    %and3A_278 = arith.andi %and3A_274, %lt3A_277 : vector<256x64xi1>
    %ge3A_279 = arith.constant 0 : i32
    %ge3A_280 = vector.broadcast %ge3A_279 : i32 to vector<256x64xi32>
    %ge3A_281 = arith.cmpi sge, %add3A_253, %ge3A_280 : vector<256x64xi32>
    %and3A_282 = arith.andi %and3A_278, %ge3A_281 : vector<256x64xi1>
    %lt3A_283 = arith.constant 8 : i32
    %lt3A_284 = vector.broadcast %lt3A_283 : i32 to vector<256x64xi32>
    %lt3A_285 = arith.cmpi slt, %add3A_253, %lt3A_284 : vector<256x64xi32>
    %and3A_286 = arith.andi %and3A_282, %lt3A_285 : vector<256x64xi1>
    %convert_element_type3A_287 = arith.extui %and3A_286 : vector<256x64xi1> to vector<256x64xi32>
    %convert_element_type3A_288 = arith.sitofp %convert_element_type3A_287 : vector<256x64xi32> to vector<256x64xf32>
    %mul3A_289 = arith.mulf %mul3A_264, %convert_element_type3A_288 : vector<256x64xf32>
    %mul3A_290 = arith.mulf %mul3A_289, %div3A_83 : vector<256x64xf32>
    %jit3A_291 = arith.constant 0 : i32
    %jit3A_292 = arith.constant 39 : i32
    %max3A = vector.broadcast %jit3A_291 : i32 to vector<256x64xi32>
    %max3A_293 = arith.maxsi %max3A, %add3A_250 : vector<256x64xi32>
    %min3A = vector.broadcast %jit3A_292 : i32 to vector<256x64xi32>
    %min3A_294 = arith.minsi %min3A, %max3A_293 : vector<256x64xi32>
    %mul3A_295 = arith.constant 320 : i32
    %mul3A_296 = vector.broadcast %mul3A_295 : i32 to vector<256x64xi32>
    %mul3A_297 = arith.muli %min3A_294, %mul3A_296 : vector<256x64xi32>
    %jit3A_298 = arith.constant 0 : i32
    %jit3A_299 = arith.constant 39 : i32
    %max3A_300 = vector.broadcast %jit3A_298 : i32 to vector<256x64xi32>
    %max3A_301 = arith.maxsi %max3A_300, %add3A_247 : vector<256x64xi32>
    %min3A_302 = vector.broadcast %jit3A_299 : i32 to vector<256x64xi32>
    %min3A_303 = arith.minsi %min3A_302, %max3A_301 : vector<256x64xi32>
    %mul3A_304 = arith.constant 8 : i32
    %mul3A_305 = vector.broadcast %mul3A_304 : i32 to vector<256x64xi32>
    %mul3A_306 = arith.muli %min3A_303, %mul3A_305 : vector<256x64xi32>
    %add3A_307 = arith.addi %mul3A_297, %mul3A_306 : vector<256x64xi32>
    %jit3A_308 = arith.constant 0 : i32
    %jit3A_309 = arith.constant 7 : i32
    %max3A_310 = vector.broadcast %jit3A_308 : i32 to vector<256x64xi32>
    %max3A_311 = arith.maxsi %max3A_310, %add3A_253 : vector<256x64xi32>
    %min3A_312 = vector.broadcast %jit3A_309 : i32 to vector<256x64xi32>
    %min3A_313 = arith.minsi %min3A_312, %max3A_311 : vector<256x64xi32>
    %add3A_314 = arith.addi %add3A_307, %min3A_313 : vector<256x64xi32>
    %mul3A_315 = arith.constant 8 : i32
    %mul3A_316 = vector.broadcast %mul3A_315 : i32 to vector<256x64xi32>
    %mul3A_317 = arith.muli %add3A_314, %mul3A_316 : vector<256x64xi32>
    %add3A_318 = arith.addi %mul3A_317, %select_n3A_244 : vector<256x64xi32>
    %add3A_319 = arith.constant 0 : i32
    %add3A_320 = vector.broadcast %add3A_319 : i32 to vector<256x64xi32>
    %add3A_321 = arith.addi %convert_element_type3A_186, %add3A_320 : vector<256x64xi32>
    %add3A_322 = arith.constant 0 : i32
    %add3A_323 = vector.broadcast %add3A_322 : i32 to vector<256x64xi32>
    %add3A_324 = arith.addi %convert_element_type3A_187, %add3A_323 : vector<256x64xi32>
    %add3A_325 = arith.constant 1 : i32
    %add3A_326 = vector.broadcast %add3A_325 : i32 to vector<256x64xi32>
    %add3A_327 = arith.addi %convert_element_type3A_188, %add3A_326 : vector<256x64xi32>
    %sub3A_328 = arith.constant 1.000000e+00 : f32
    %sub3A_329 = vector.broadcast %sub3A_328 : f32 to vector<256x64xf32>
    %sub3A_330 = arith.subf %sub3A_329, %sub3A_189 : vector<256x64xf32>
    %sub3A_331 = arith.constant 1.000000e+00 : f32
    %sub3A_332 = vector.broadcast %sub3A_331 : f32 to vector<256x64xf32>
    %sub3A_333 = arith.subf %sub3A_332, %sub3A_190 : vector<256x64xf32>
    %mul3A_334 = arith.mulf %sub3A_330, %sub3A_333 : vector<256x64xf32>
    %mul3A_335 = arith.mulf %mul3A_334, %sub3A_191 : vector<256x64xf32>
    %ge3A_336 = arith.constant 0 : i32
    %ge3A_337 = vector.broadcast %ge3A_336 : i32 to vector<256x64xi32>
    %ge3A_338 = arith.cmpi sge, %add3A_321, %ge3A_337 : vector<256x64xi32>
    %lt3A_339 = arith.constant 40 : i32
    %lt3A_340 = vector.broadcast %lt3A_339 : i32 to vector<256x64xi32>
    %lt3A_341 = arith.cmpi slt, %add3A_321, %lt3A_340 : vector<256x64xi32>
    %and3A_342 = arith.andi %ge3A_338, %lt3A_341 : vector<256x64xi1>
    %ge3A_343 = arith.constant 0 : i32
    %ge3A_344 = vector.broadcast %ge3A_343 : i32 to vector<256x64xi32>
    %ge3A_345 = arith.cmpi sge, %add3A_324, %ge3A_344 : vector<256x64xi32>
    %and3A_346 = arith.andi %and3A_342, %ge3A_345 : vector<256x64xi1>
    %lt3A_347 = arith.constant 40 : i32
    %lt3A_348 = vector.broadcast %lt3A_347 : i32 to vector<256x64xi32>
    %lt3A_349 = arith.cmpi slt, %add3A_324, %lt3A_348 : vector<256x64xi32>
    %and3A_350 = arith.andi %and3A_346, %lt3A_349 : vector<256x64xi1>
    %ge3A_351 = arith.constant 0 : i32
    %ge3A_352 = vector.broadcast %ge3A_351 : i32 to vector<256x64xi32>
    %ge3A_353 = arith.cmpi sge, %add3A_327, %ge3A_352 : vector<256x64xi32>
    %and3A_354 = arith.andi %and3A_350, %ge3A_353 : vector<256x64xi1>
    %lt3A_355 = arith.constant 8 : i32
    %lt3A_356 = vector.broadcast %lt3A_355 : i32 to vector<256x64xi32>
    %lt3A_357 = arith.cmpi slt, %add3A_327, %lt3A_356 : vector<256x64xi32>
    %and3A_358 = arith.andi %and3A_354, %lt3A_357 : vector<256x64xi1>
    %convert_element_type3A_359 = arith.extui %and3A_358 : vector<256x64xi1> to vector<256x64xi32>
    %convert_element_type3A_360 = arith.sitofp %convert_element_type3A_359 : vector<256x64xi32> to vector<256x64xf32>
    %mul3A_361 = arith.mulf %mul3A_335, %convert_element_type3A_360 : vector<256x64xf32>
    %mul3A_362 = arith.mulf %mul3A_361, %div3A_83 : vector<256x64xf32>
    %jit3A_363 = arith.constant 0 : i32
    %jit3A_364 = arith.constant 39 : i32
    %max3A_365 = vector.broadcast %jit3A_363 : i32 to vector<256x64xi32>
    %max3A_366 = arith.maxsi %max3A_365, %add3A_324 : vector<256x64xi32>
    %min3A_367 = vector.broadcast %jit3A_364 : i32 to vector<256x64xi32>
    %min3A_368 = arith.minsi %min3A_367, %max3A_366 : vector<256x64xi32>
    %mul3A_369 = arith.constant 320 : i32
    %mul3A_370 = vector.broadcast %mul3A_369 : i32 to vector<256x64xi32>
    %mul3A_371 = arith.muli %min3A_368, %mul3A_370 : vector<256x64xi32>
    %jit3A_372 = arith.constant 0 : i32
    %jit3A_373 = arith.constant 39 : i32
    %max3A_374 = vector.broadcast %jit3A_372 : i32 to vector<256x64xi32>
    %max3A_375 = arith.maxsi %max3A_374, %add3A_321 : vector<256x64xi32>
    %min3A_376 = vector.broadcast %jit3A_373 : i32 to vector<256x64xi32>
    %min3A_377 = arith.minsi %min3A_376, %max3A_375 : vector<256x64xi32>
    %mul3A_378 = arith.constant 8 : i32
    %mul3A_379 = vector.broadcast %mul3A_378 : i32 to vector<256x64xi32>
    %mul3A_380 = arith.muli %min3A_377, %mul3A_379 : vector<256x64xi32>
    %add3A_381 = arith.addi %mul3A_371, %mul3A_380 : vector<256x64xi32>
    %jit3A_382 = arith.constant 0 : i32
    %jit3A_383 = arith.constant 7 : i32
    %max3A_384 = vector.broadcast %jit3A_382 : i32 to vector<256x64xi32>
    %max3A_385 = arith.maxsi %max3A_384, %add3A_327 : vector<256x64xi32>
    %min3A_386 = vector.broadcast %jit3A_383 : i32 to vector<256x64xi32>
    %min3A_387 = arith.minsi %min3A_386, %max3A_385 : vector<256x64xi32>
    %add3A_388 = arith.addi %add3A_381, %min3A_387 : vector<256x64xi32>
    %mul3A_389 = arith.constant 8 : i32
    %mul3A_390 = vector.broadcast %mul3A_389 : i32 to vector<256x64xi32>
    %mul3A_391 = arith.muli %add3A_388, %mul3A_390 : vector<256x64xi32>
    %add3A_392 = arith.addi %mul3A_391, %select_n3A_244 : vector<256x64xi32>
    %add3A_393 = arith.constant 0 : i32
    %add3A_394 = vector.broadcast %add3A_393 : i32 to vector<256x64xi32>
    %add3A_395 = arith.addi %convert_element_type3A_186, %add3A_394 : vector<256x64xi32>
    %add3A_396 = arith.constant 1 : i32
    %add3A_397 = vector.broadcast %add3A_396 : i32 to vector<256x64xi32>
    %add3A_398 = arith.addi %convert_element_type3A_187, %add3A_397 : vector<256x64xi32>
    %add3A_399 = arith.constant 0 : i32
    %add3A_400 = vector.broadcast %add3A_399 : i32 to vector<256x64xi32>
    %add3A_401 = arith.addi %convert_element_type3A_188, %add3A_400 : vector<256x64xi32>
    %sub3A_402 = arith.constant 1.000000e+00 : f32
    %sub3A_403 = vector.broadcast %sub3A_402 : f32 to vector<256x64xf32>
    %sub3A_404 = arith.subf %sub3A_403, %sub3A_189 : vector<256x64xf32>
    %mul3A_405 = arith.mulf %sub3A_404, %sub3A_190 : vector<256x64xf32>
    %sub3A_406 = arith.constant 1.000000e+00 : f32
    %sub3A_407 = vector.broadcast %sub3A_406 : f32 to vector<256x64xf32>
    %sub3A_408 = arith.subf %sub3A_407, %sub3A_191 : vector<256x64xf32>
    %mul3A_409 = arith.mulf %mul3A_405, %sub3A_408 : vector<256x64xf32>
    %ge3A_410 = arith.constant 0 : i32
    %ge3A_411 = vector.broadcast %ge3A_410 : i32 to vector<256x64xi32>
    %ge3A_412 = arith.cmpi sge, %add3A_395, %ge3A_411 : vector<256x64xi32>
    %lt3A_413 = arith.constant 40 : i32
    %lt3A_414 = vector.broadcast %lt3A_413 : i32 to vector<256x64xi32>
    %lt3A_415 = arith.cmpi slt, %add3A_395, %lt3A_414 : vector<256x64xi32>
    %and3A_416 = arith.andi %ge3A_412, %lt3A_415 : vector<256x64xi1>
    %ge3A_417 = arith.constant 0 : i32
    %ge3A_418 = vector.broadcast %ge3A_417 : i32 to vector<256x64xi32>
    %ge3A_419 = arith.cmpi sge, %add3A_398, %ge3A_418 : vector<256x64xi32>
    %and3A_420 = arith.andi %and3A_416, %ge3A_419 : vector<256x64xi1>
    %lt3A_421 = arith.constant 40 : i32
    %lt3A_422 = vector.broadcast %lt3A_421 : i32 to vector<256x64xi32>
    %lt3A_423 = arith.cmpi slt, %add3A_398, %lt3A_422 : vector<256x64xi32>
    %and3A_424 = arith.andi %and3A_420, %lt3A_423 : vector<256x64xi1>
    %ge3A_425 = arith.constant 0 : i32
    %ge3A_426 = vector.broadcast %ge3A_425 : i32 to vector<256x64xi32>
    %ge3A_427 = arith.cmpi sge, %add3A_401, %ge3A_426 : vector<256x64xi32>
    %and3A_428 = arith.andi %and3A_424, %ge3A_427 : vector<256x64xi1>
    %lt3A_429 = arith.constant 8 : i32
    %lt3A_430 = vector.broadcast %lt3A_429 : i32 to vector<256x64xi32>
    %lt3A_431 = arith.cmpi slt, %add3A_401, %lt3A_430 : vector<256x64xi32>
    %and3A_432 = arith.andi %and3A_428, %lt3A_431 : vector<256x64xi1>
    %convert_element_type3A_433 = arith.extui %and3A_432 : vector<256x64xi1> to vector<256x64xi32>
    %convert_element_type3A_434 = arith.sitofp %convert_element_type3A_433 : vector<256x64xi32> to vector<256x64xf32>
    %mul3A_435 = arith.mulf %mul3A_409, %convert_element_type3A_434 : vector<256x64xf32>
    %mul3A_436 = arith.mulf %mul3A_435, %div3A_83 : vector<256x64xf32>
    %jit3A_437 = arith.constant 0 : i32
    %jit3A_438 = arith.constant 39 : i32
    %max3A_439 = vector.broadcast %jit3A_437 : i32 to vector<256x64xi32>
    %max3A_440 = arith.maxsi %max3A_439, %add3A_398 : vector<256x64xi32>
    %min3A_441 = vector.broadcast %jit3A_438 : i32 to vector<256x64xi32>
    %min3A_442 = arith.minsi %min3A_441, %max3A_440 : vector<256x64xi32>
    %mul3A_443 = arith.constant 320 : i32
    %mul3A_444 = vector.broadcast %mul3A_443 : i32 to vector<256x64xi32>
    %mul3A_445 = arith.muli %min3A_442, %mul3A_444 : vector<256x64xi32>
    %jit3A_446 = arith.constant 0 : i32
    %jit3A_447 = arith.constant 39 : i32
    %max3A_448 = vector.broadcast %jit3A_446 : i32 to vector<256x64xi32>
    %max3A_449 = arith.maxsi %max3A_448, %add3A_395 : vector<256x64xi32>
    %min3A_450 = vector.broadcast %jit3A_447 : i32 to vector<256x64xi32>
    %min3A_451 = arith.minsi %min3A_450, %max3A_449 : vector<256x64xi32>
    %mul3A_452 = arith.constant 8 : i32
    %mul3A_453 = vector.broadcast %mul3A_452 : i32 to vector<256x64xi32>
    %mul3A_454 = arith.muli %min3A_451, %mul3A_453 : vector<256x64xi32>
    %add3A_455 = arith.addi %mul3A_445, %mul3A_454 : vector<256x64xi32>
    %jit3A_456 = arith.constant 0 : i32
    %jit3A_457 = arith.constant 7 : i32
    %max3A_458 = vector.broadcast %jit3A_456 : i32 to vector<256x64xi32>
    %max3A_459 = arith.maxsi %max3A_458, %add3A_401 : vector<256x64xi32>
    %min3A_460 = vector.broadcast %jit3A_457 : i32 to vector<256x64xi32>
    %min3A_461 = arith.minsi %min3A_460, %max3A_459 : vector<256x64xi32>
    %add3A_462 = arith.addi %add3A_455, %min3A_461 : vector<256x64xi32>
    %mul3A_463 = arith.constant 8 : i32
    %mul3A_464 = vector.broadcast %mul3A_463 : i32 to vector<256x64xi32>
    %mul3A_465 = arith.muli %add3A_462, %mul3A_464 : vector<256x64xi32>
    %add3A_466 = arith.addi %mul3A_465, %select_n3A_244 : vector<256x64xi32>
    %add3A_467 = arith.constant 0 : i32
    %add3A_468 = vector.broadcast %add3A_467 : i32 to vector<256x64xi32>
    %add3A_469 = arith.addi %convert_element_type3A_186, %add3A_468 : vector<256x64xi32>
    %add3A_470 = arith.constant 1 : i32
    %add3A_471 = vector.broadcast %add3A_470 : i32 to vector<256x64xi32>
    %add3A_472 = arith.addi %convert_element_type3A_187, %add3A_471 : vector<256x64xi32>
    %add3A_473 = arith.constant 1 : i32
    %add3A_474 = vector.broadcast %add3A_473 : i32 to vector<256x64xi32>
    %add3A_475 = arith.addi %convert_element_type3A_188, %add3A_474 : vector<256x64xi32>
    %sub3A_476 = arith.constant 1.000000e+00 : f32
    %sub3A_477 = vector.broadcast %sub3A_476 : f32 to vector<256x64xf32>
    %sub3A_478 = arith.subf %sub3A_477, %sub3A_189 : vector<256x64xf32>
    %mul3A_479 = arith.mulf %sub3A_478, %sub3A_190 : vector<256x64xf32>
    %mul3A_480 = arith.mulf %mul3A_479, %sub3A_191 : vector<256x64xf32>
    %ge3A_481 = arith.constant 0 : i32
    %ge3A_482 = vector.broadcast %ge3A_481 : i32 to vector<256x64xi32>
    %ge3A_483 = arith.cmpi sge, %add3A_469, %ge3A_482 : vector<256x64xi32>
    %lt3A_484 = arith.constant 40 : i32
    %lt3A_485 = vector.broadcast %lt3A_484 : i32 to vector<256x64xi32>
    %lt3A_486 = arith.cmpi slt, %add3A_469, %lt3A_485 : vector<256x64xi32>
    %and3A_487 = arith.andi %ge3A_483, %lt3A_486 : vector<256x64xi1>
    %ge3A_488 = arith.constant 0 : i32
    %ge3A_489 = vector.broadcast %ge3A_488 : i32 to vector<256x64xi32>
    %ge3A_490 = arith.cmpi sge, %add3A_472, %ge3A_489 : vector<256x64xi32>
    %and3A_491 = arith.andi %and3A_487, %ge3A_490 : vector<256x64xi1>
    %lt3A_492 = arith.constant 40 : i32
    %lt3A_493 = vector.broadcast %lt3A_492 : i32 to vector<256x64xi32>
    %lt3A_494 = arith.cmpi slt, %add3A_472, %lt3A_493 : vector<256x64xi32>
    %and3A_495 = arith.andi %and3A_491, %lt3A_494 : vector<256x64xi1>
    %ge3A_496 = arith.constant 0 : i32
    %ge3A_497 = vector.broadcast %ge3A_496 : i32 to vector<256x64xi32>
    %ge3A_498 = arith.cmpi sge, %add3A_475, %ge3A_497 : vector<256x64xi32>
    %and3A_499 = arith.andi %and3A_495, %ge3A_498 : vector<256x64xi1>
    %lt3A_500 = arith.constant 8 : i32
    %lt3A_501 = vector.broadcast %lt3A_500 : i32 to vector<256x64xi32>
    %lt3A_502 = arith.cmpi slt, %add3A_475, %lt3A_501 : vector<256x64xi32>
    %and3A_503 = arith.andi %and3A_499, %lt3A_502 : vector<256x64xi1>
    %convert_element_type3A_504 = arith.extui %and3A_503 : vector<256x64xi1> to vector<256x64xi32>
    %convert_element_type3A_505 = arith.sitofp %convert_element_type3A_504 : vector<256x64xi32> to vector<256x64xf32>
    %mul3A_506 = arith.mulf %mul3A_480, %convert_element_type3A_505 : vector<256x64xf32>
    %mul3A_507 = arith.mulf %mul3A_506, %div3A_83 : vector<256x64xf32>
    %jit3A_508 = arith.constant 0 : i32
    %jit3A_509 = arith.constant 39 : i32
    %max3A_510 = vector.broadcast %jit3A_508 : i32 to vector<256x64xi32>
    %max3A_511 = arith.maxsi %max3A_510, %add3A_472 : vector<256x64xi32>
    %min3A_512 = vector.broadcast %jit3A_509 : i32 to vector<256x64xi32>
    %min3A_513 = arith.minsi %min3A_512, %max3A_511 : vector<256x64xi32>
    %mul3A_514 = arith.constant 320 : i32
    %mul3A_515 = vector.broadcast %mul3A_514 : i32 to vector<256x64xi32>
    %mul3A_516 = arith.muli %min3A_513, %mul3A_515 : vector<256x64xi32>
    %jit3A_517 = arith.constant 0 : i32
    %jit3A_518 = arith.constant 39 : i32
    %max3A_519 = vector.broadcast %jit3A_517 : i32 to vector<256x64xi32>
    %max3A_520 = arith.maxsi %max3A_519, %add3A_469 : vector<256x64xi32>
    %min3A_521 = vector.broadcast %jit3A_518 : i32 to vector<256x64xi32>
    %min3A_522 = arith.minsi %min3A_521, %max3A_520 : vector<256x64xi32>
    %mul3A_523 = arith.constant 8 : i32
    %mul3A_524 = vector.broadcast %mul3A_523 : i32 to vector<256x64xi32>
    %mul3A_525 = arith.muli %min3A_522, %mul3A_524 : vector<256x64xi32>
    %add3A_526 = arith.addi %mul3A_516, %mul3A_525 : vector<256x64xi32>
    %jit3A_527 = arith.constant 0 : i32
    %jit3A_528 = arith.constant 7 : i32
    %max3A_529 = vector.broadcast %jit3A_527 : i32 to vector<256x64xi32>
    %max3A_530 = arith.maxsi %max3A_529, %add3A_475 : vector<256x64xi32>
    %min3A_531 = vector.broadcast %jit3A_528 : i32 to vector<256x64xi32>
    %min3A_532 = arith.minsi %min3A_531, %max3A_530 : vector<256x64xi32>
    %add3A_533 = arith.addi %add3A_526, %min3A_532 : vector<256x64xi32>
    %mul3A_534 = arith.constant 8 : i32
    %mul3A_535 = vector.broadcast %mul3A_534 : i32 to vector<256x64xi32>
    %mul3A_536 = arith.muli %add3A_533, %mul3A_535 : vector<256x64xi32>
    %add3A_537 = arith.addi %mul3A_536, %select_n3A_244 : vector<256x64xi32>
    %add3A_538 = arith.constant 1 : i32
    %add3A_539 = vector.broadcast %add3A_538 : i32 to vector<256x64xi32>
    %add3A_540 = arith.addi %convert_element_type3A_186, %add3A_539 : vector<256x64xi32>
    %add3A_541 = arith.constant 0 : i32
    %add3A_542 = vector.broadcast %add3A_541 : i32 to vector<256x64xi32>
    %add3A_543 = arith.addi %convert_element_type3A_187, %add3A_542 : vector<256x64xi32>
    %add3A_544 = arith.constant 0 : i32
    %add3A_545 = vector.broadcast %add3A_544 : i32 to vector<256x64xi32>
    %add3A_546 = arith.addi %convert_element_type3A_188, %add3A_545 : vector<256x64xi32>
    %sub3A_547 = arith.constant 1.000000e+00 : f32
    %sub3A_548 = vector.broadcast %sub3A_547 : f32 to vector<256x64xf32>
    %sub3A_549 = arith.subf %sub3A_548, %sub3A_190 : vector<256x64xf32>
    %mul3A_550 = arith.mulf %sub3A_189, %sub3A_549 : vector<256x64xf32>
    %sub3A_551 = arith.constant 1.000000e+00 : f32
    %sub3A_552 = vector.broadcast %sub3A_551 : f32 to vector<256x64xf32>
    %sub3A_553 = arith.subf %sub3A_552, %sub3A_191 : vector<256x64xf32>
    %mul3A_554 = arith.mulf %mul3A_550, %sub3A_553 : vector<256x64xf32>
    %ge3A_555 = arith.constant 0 : i32
    %ge3A_556 = vector.broadcast %ge3A_555 : i32 to vector<256x64xi32>
    %ge3A_557 = arith.cmpi sge, %add3A_540, %ge3A_556 : vector<256x64xi32>
    %lt3A_558 = arith.constant 40 : i32
    %lt3A_559 = vector.broadcast %lt3A_558 : i32 to vector<256x64xi32>
    %lt3A_560 = arith.cmpi slt, %add3A_540, %lt3A_559 : vector<256x64xi32>
    %and3A_561 = arith.andi %ge3A_557, %lt3A_560 : vector<256x64xi1>
    %ge3A_562 = arith.constant 0 : i32
    %ge3A_563 = vector.broadcast %ge3A_562 : i32 to vector<256x64xi32>
    %ge3A_564 = arith.cmpi sge, %add3A_543, %ge3A_563 : vector<256x64xi32>
    %and3A_565 = arith.andi %and3A_561, %ge3A_564 : vector<256x64xi1>
    %lt3A_566 = arith.constant 40 : i32
    %lt3A_567 = vector.broadcast %lt3A_566 : i32 to vector<256x64xi32>
    %lt3A_568 = arith.cmpi slt, %add3A_543, %lt3A_567 : vector<256x64xi32>
    %and3A_569 = arith.andi %and3A_565, %lt3A_568 : vector<256x64xi1>
    %ge3A_570 = arith.constant 0 : i32
    %ge3A_571 = vector.broadcast %ge3A_570 : i32 to vector<256x64xi32>
    %ge3A_572 = arith.cmpi sge, %add3A_546, %ge3A_571 : vector<256x64xi32>
    %and3A_573 = arith.andi %and3A_569, %ge3A_572 : vector<256x64xi1>
    %lt3A_574 = arith.constant 8 : i32
    %lt3A_575 = vector.broadcast %lt3A_574 : i32 to vector<256x64xi32>
    %lt3A_576 = arith.cmpi slt, %add3A_546, %lt3A_575 : vector<256x64xi32>
    %and3A_577 = arith.andi %and3A_573, %lt3A_576 : vector<256x64xi1>
    %convert_element_type3A_578 = arith.extui %and3A_577 : vector<256x64xi1> to vector<256x64xi32>
    %convert_element_type3A_579 = arith.sitofp %convert_element_type3A_578 : vector<256x64xi32> to vector<256x64xf32>
    %mul3A_580 = arith.mulf %mul3A_554, %convert_element_type3A_579 : vector<256x64xf32>
    %mul3A_581 = arith.mulf %mul3A_580, %div3A_83 : vector<256x64xf32>
    %jit3A_582 = arith.constant 0 : i32
    %jit3A_583 = arith.constant 39 : i32
    %max3A_584 = vector.broadcast %jit3A_582 : i32 to vector<256x64xi32>
    %max3A_585 = arith.maxsi %max3A_584, %add3A_543 : vector<256x64xi32>
    %min3A_586 = vector.broadcast %jit3A_583 : i32 to vector<256x64xi32>
    %min3A_587 = arith.minsi %min3A_586, %max3A_585 : vector<256x64xi32>
    %mul3A_588 = arith.constant 320 : i32
    %mul3A_589 = vector.broadcast %mul3A_588 : i32 to vector<256x64xi32>
    %mul3A_590 = arith.muli %min3A_587, %mul3A_589 : vector<256x64xi32>
    %jit3A_591 = arith.constant 0 : i32
    %jit3A_592 = arith.constant 39 : i32
    %max3A_593 = vector.broadcast %jit3A_591 : i32 to vector<256x64xi32>
    %max3A_594 = arith.maxsi %max3A_593, %add3A_540 : vector<256x64xi32>
    %min3A_595 = vector.broadcast %jit3A_592 : i32 to vector<256x64xi32>
    %min3A_596 = arith.minsi %min3A_595, %max3A_594 : vector<256x64xi32>
    %mul3A_597 = arith.constant 8 : i32
    %mul3A_598 = vector.broadcast %mul3A_597 : i32 to vector<256x64xi32>
    %mul3A_599 = arith.muli %min3A_596, %mul3A_598 : vector<256x64xi32>
    %add3A_600 = arith.addi %mul3A_590, %mul3A_599 : vector<256x64xi32>
    %jit3A_601 = arith.constant 0 : i32
    %jit3A_602 = arith.constant 7 : i32
    %max3A_603 = vector.broadcast %jit3A_601 : i32 to vector<256x64xi32>
    %max3A_604 = arith.maxsi %max3A_603, %add3A_546 : vector<256x64xi32>
    %min3A_605 = vector.broadcast %jit3A_602 : i32 to vector<256x64xi32>
    %min3A_606 = arith.minsi %min3A_605, %max3A_604 : vector<256x64xi32>
    %add3A_607 = arith.addi %add3A_600, %min3A_606 : vector<256x64xi32>
    %mul3A_608 = arith.constant 8 : i32
    %mul3A_609 = vector.broadcast %mul3A_608 : i32 to vector<256x64xi32>
    %mul3A_610 = arith.muli %add3A_607, %mul3A_609 : vector<256x64xi32>
    %add3A_611 = arith.addi %mul3A_610, %select_n3A_244 : vector<256x64xi32>
    %add3A_612 = arith.constant 1 : i32
    %add3A_613 = vector.broadcast %add3A_612 : i32 to vector<256x64xi32>
    %add3A_614 = arith.addi %convert_element_type3A_186, %add3A_613 : vector<256x64xi32>
    %add3A_615 = arith.constant 0 : i32
    %add3A_616 = vector.broadcast %add3A_615 : i32 to vector<256x64xi32>
    %add3A_617 = arith.addi %convert_element_type3A_187, %add3A_616 : vector<256x64xi32>
    %add3A_618 = arith.constant 1 : i32
    %add3A_619 = vector.broadcast %add3A_618 : i32 to vector<256x64xi32>
    %add3A_620 = arith.addi %convert_element_type3A_188, %add3A_619 : vector<256x64xi32>
    %sub3A_621 = arith.constant 1.000000e+00 : f32
    %sub3A_622 = vector.broadcast %sub3A_621 : f32 to vector<256x64xf32>
    %sub3A_623 = arith.subf %sub3A_622, %sub3A_190 : vector<256x64xf32>
    %mul3A_624 = arith.mulf %sub3A_189, %sub3A_623 : vector<256x64xf32>
    %mul3A_625 = arith.mulf %mul3A_624, %sub3A_191 : vector<256x64xf32>
    %ge3A_626 = arith.constant 0 : i32
    %ge3A_627 = vector.broadcast %ge3A_626 : i32 to vector<256x64xi32>
    %ge3A_628 = arith.cmpi sge, %add3A_614, %ge3A_627 : vector<256x64xi32>
    %lt3A_629 = arith.constant 40 : i32
    %lt3A_630 = vector.broadcast %lt3A_629 : i32 to vector<256x64xi32>
    %lt3A_631 = arith.cmpi slt, %add3A_614, %lt3A_630 : vector<256x64xi32>
    %and3A_632 = arith.andi %ge3A_628, %lt3A_631 : vector<256x64xi1>
    %ge3A_633 = arith.constant 0 : i32
    %ge3A_634 = vector.broadcast %ge3A_633 : i32 to vector<256x64xi32>
    %ge3A_635 = arith.cmpi sge, %add3A_617, %ge3A_634 : vector<256x64xi32>
    %and3A_636 = arith.andi %and3A_632, %ge3A_635 : vector<256x64xi1>
    %lt3A_637 = arith.constant 40 : i32
    %lt3A_638 = vector.broadcast %lt3A_637 : i32 to vector<256x64xi32>
    %lt3A_639 = arith.cmpi slt, %add3A_617, %lt3A_638 : vector<256x64xi32>
    %and3A_640 = arith.andi %and3A_636, %lt3A_639 : vector<256x64xi1>
    %ge3A_641 = arith.constant 0 : i32
    %ge3A_642 = vector.broadcast %ge3A_641 : i32 to vector<256x64xi32>
    %ge3A_643 = arith.cmpi sge, %add3A_620, %ge3A_642 : vector<256x64xi32>
    %and3A_644 = arith.andi %and3A_640, %ge3A_643 : vector<256x64xi1>
    %lt3A_645 = arith.constant 8 : i32
    %lt3A_646 = vector.broadcast %lt3A_645 : i32 to vector<256x64xi32>
    %lt3A_647 = arith.cmpi slt, %add3A_620, %lt3A_646 : vector<256x64xi32>
    %and3A_648 = arith.andi %and3A_644, %lt3A_647 : vector<256x64xi1>
    %convert_element_type3A_649 = arith.extui %and3A_648 : vector<256x64xi1> to vector<256x64xi32>
    %convert_element_type3A_650 = arith.sitofp %convert_element_type3A_649 : vector<256x64xi32> to vector<256x64xf32>
    %mul3A_651 = arith.mulf %mul3A_625, %convert_element_type3A_650 : vector<256x64xf32>
    %mul3A_652 = arith.mulf %mul3A_651, %div3A_83 : vector<256x64xf32>
    %jit3A_653 = arith.constant 0 : i32
    %jit3A_654 = arith.constant 39 : i32
    %max3A_655 = vector.broadcast %jit3A_653 : i32 to vector<256x64xi32>
    %max3A_656 = arith.maxsi %max3A_655, %add3A_617 : vector<256x64xi32>
    %min3A_657 = vector.broadcast %jit3A_654 : i32 to vector<256x64xi32>
    %min3A_658 = arith.minsi %min3A_657, %max3A_656 : vector<256x64xi32>
    %mul3A_659 = arith.constant 320 : i32
    %mul3A_660 = vector.broadcast %mul3A_659 : i32 to vector<256x64xi32>
    %mul3A_661 = arith.muli %min3A_658, %mul3A_660 : vector<256x64xi32>
    %jit3A_662 = arith.constant 0 : i32
    %jit3A_663 = arith.constant 39 : i32
    %max3A_664 = vector.broadcast %jit3A_662 : i32 to vector<256x64xi32>
    %max3A_665 = arith.maxsi %max3A_664, %add3A_614 : vector<256x64xi32>
    %min3A_666 = vector.broadcast %jit3A_663 : i32 to vector<256x64xi32>
    %min3A_667 = arith.minsi %min3A_666, %max3A_665 : vector<256x64xi32>
    %mul3A_668 = arith.constant 8 : i32
    %mul3A_669 = vector.broadcast %mul3A_668 : i32 to vector<256x64xi32>
    %mul3A_670 = arith.muli %min3A_667, %mul3A_669 : vector<256x64xi32>
    %add3A_671 = arith.addi %mul3A_661, %mul3A_670 : vector<256x64xi32>
    %jit3A_672 = arith.constant 0 : i32
    %jit3A_673 = arith.constant 7 : i32
    %max3A_674 = vector.broadcast %jit3A_672 : i32 to vector<256x64xi32>
    %max3A_675 = arith.maxsi %max3A_674, %add3A_620 : vector<256x64xi32>
    %min3A_676 = vector.broadcast %jit3A_673 : i32 to vector<256x64xi32>
    %min3A_677 = arith.minsi %min3A_676, %max3A_675 : vector<256x64xi32>
    %add3A_678 = arith.addi %add3A_671, %min3A_677 : vector<256x64xi32>
    %mul3A_679 = arith.constant 8 : i32
    %mul3A_680 = vector.broadcast %mul3A_679 : i32 to vector<256x64xi32>
    %mul3A_681 = arith.muli %add3A_678, %mul3A_680 : vector<256x64xi32>
    %add3A_682 = arith.addi %mul3A_681, %select_n3A_244 : vector<256x64xi32>
    %add3A_683 = arith.constant 1 : i32
    %add3A_684 = vector.broadcast %add3A_683 : i32 to vector<256x64xi32>
    %add3A_685 = arith.addi %convert_element_type3A_186, %add3A_684 : vector<256x64xi32>
    %add3A_686 = arith.constant 1 : i32
    %add3A_687 = vector.broadcast %add3A_686 : i32 to vector<256x64xi32>
    %add3A_688 = arith.addi %convert_element_type3A_187, %add3A_687 : vector<256x64xi32>
    %add3A_689 = arith.constant 0 : i32
    %add3A_690 = vector.broadcast %add3A_689 : i32 to vector<256x64xi32>
    %add3A_691 = arith.addi %convert_element_type3A_188, %add3A_690 : vector<256x64xi32>
    %mul3A_692 = arith.mulf %sub3A_189, %sub3A_190 : vector<256x64xf32>
    %sub3A_693 = arith.constant 1.000000e+00 : f32
    %sub3A_694 = vector.broadcast %sub3A_693 : f32 to vector<256x64xf32>
    %sub3A_695 = arith.subf %sub3A_694, %sub3A_191 : vector<256x64xf32>
    %mul3A_696 = arith.mulf %mul3A_692, %sub3A_695 : vector<256x64xf32>
    %ge3A_697 = arith.constant 0 : i32
    %ge3A_698 = vector.broadcast %ge3A_697 : i32 to vector<256x64xi32>
    %ge3A_699 = arith.cmpi sge, %add3A_685, %ge3A_698 : vector<256x64xi32>
    %lt3A_700 = arith.constant 40 : i32
    %lt3A_701 = vector.broadcast %lt3A_700 : i32 to vector<256x64xi32>
    %lt3A_702 = arith.cmpi slt, %add3A_685, %lt3A_701 : vector<256x64xi32>
    %and3A_703 = arith.andi %ge3A_699, %lt3A_702 : vector<256x64xi1>
    %ge3A_704 = arith.constant 0 : i32
    %ge3A_705 = vector.broadcast %ge3A_704 : i32 to vector<256x64xi32>
    %ge3A_706 = arith.cmpi sge, %add3A_688, %ge3A_705 : vector<256x64xi32>
    %and3A_707 = arith.andi %and3A_703, %ge3A_706 : vector<256x64xi1>
    %lt3A_708 = arith.constant 40 : i32
    %lt3A_709 = vector.broadcast %lt3A_708 : i32 to vector<256x64xi32>
    %lt3A_710 = arith.cmpi slt, %add3A_688, %lt3A_709 : vector<256x64xi32>
    %and3A_711 = arith.andi %and3A_707, %lt3A_710 : vector<256x64xi1>
    %ge3A_712 = arith.constant 0 : i32
    %ge3A_713 = vector.broadcast %ge3A_712 : i32 to vector<256x64xi32>
    %ge3A_714 = arith.cmpi sge, %add3A_691, %ge3A_713 : vector<256x64xi32>
    %and3A_715 = arith.andi %and3A_711, %ge3A_714 : vector<256x64xi1>
    %lt3A_716 = arith.constant 8 : i32
    %lt3A_717 = vector.broadcast %lt3A_716 : i32 to vector<256x64xi32>
    %lt3A_718 = arith.cmpi slt, %add3A_691, %lt3A_717 : vector<256x64xi32>
    %and3A_719 = arith.andi %and3A_715, %lt3A_718 : vector<256x64xi1>
    %convert_element_type3A_720 = arith.extui %and3A_719 : vector<256x64xi1> to vector<256x64xi32>
    %convert_element_type3A_721 = arith.sitofp %convert_element_type3A_720 : vector<256x64xi32> to vector<256x64xf32>
    %mul3A_722 = arith.mulf %mul3A_696, %convert_element_type3A_721 : vector<256x64xf32>
    %mul3A_723 = arith.mulf %mul3A_722, %div3A_83 : vector<256x64xf32>
    %jit3A_724 = arith.constant 0 : i32
    %jit3A_725 = arith.constant 39 : i32
    %max3A_726 = vector.broadcast %jit3A_724 : i32 to vector<256x64xi32>
    %max3A_727 = arith.maxsi %max3A_726, %add3A_688 : vector<256x64xi32>
    %min3A_728 = vector.broadcast %jit3A_725 : i32 to vector<256x64xi32>
    %min3A_729 = arith.minsi %min3A_728, %max3A_727 : vector<256x64xi32>
    %mul3A_730 = arith.constant 320 : i32
    %mul3A_731 = vector.broadcast %mul3A_730 : i32 to vector<256x64xi32>
    %mul3A_732 = arith.muli %min3A_729, %mul3A_731 : vector<256x64xi32>
    %jit3A_733 = arith.constant 0 : i32
    %jit3A_734 = arith.constant 39 : i32
    %max3A_735 = vector.broadcast %jit3A_733 : i32 to vector<256x64xi32>
    %max3A_736 = arith.maxsi %max3A_735, %add3A_685 : vector<256x64xi32>
    %min3A_737 = vector.broadcast %jit3A_734 : i32 to vector<256x64xi32>
    %min3A_738 = arith.minsi %min3A_737, %max3A_736 : vector<256x64xi32>
    %mul3A_739 = arith.constant 8 : i32
    %mul3A_740 = vector.broadcast %mul3A_739 : i32 to vector<256x64xi32>
    %mul3A_741 = arith.muli %min3A_738, %mul3A_740 : vector<256x64xi32>
    %add3A_742 = arith.addi %mul3A_732, %mul3A_741 : vector<256x64xi32>
    %jit3A_743 = arith.constant 0 : i32
    %jit3A_744 = arith.constant 7 : i32
    %max3A_745 = vector.broadcast %jit3A_743 : i32 to vector<256x64xi32>
    %max3A_746 = arith.maxsi %max3A_745, %add3A_691 : vector<256x64xi32>
    %min3A_747 = vector.broadcast %jit3A_744 : i32 to vector<256x64xi32>
    %min3A_748 = arith.minsi %min3A_747, %max3A_746 : vector<256x64xi32>
    %add3A_749 = arith.addi %add3A_742, %min3A_748 : vector<256x64xi32>
    %mul3A_750 = arith.constant 8 : i32
    %mul3A_751 = vector.broadcast %mul3A_750 : i32 to vector<256x64xi32>
    %mul3A_752 = arith.muli %add3A_749, %mul3A_751 : vector<256x64xi32>
    %add3A_753 = arith.addi %mul3A_752, %select_n3A_244 : vector<256x64xi32>
    %add3A_754 = arith.constant 1 : i32
    %add3A_755 = vector.broadcast %add3A_754 : i32 to vector<256x64xi32>
    %add3A_756 = arith.addi %convert_element_type3A_186, %add3A_755 : vector<256x64xi32>
    %add3A_757 = arith.constant 1 : i32
    %add3A_758 = vector.broadcast %add3A_757 : i32 to vector<256x64xi32>
    %add3A_759 = arith.addi %convert_element_type3A_187, %add3A_758 : vector<256x64xi32>
    %add3A_760 = arith.constant 1 : i32
    %add3A_761 = vector.broadcast %add3A_760 : i32 to vector<256x64xi32>
    %add3A_762 = arith.addi %convert_element_type3A_188, %add3A_761 : vector<256x64xi32>
    %mul3A_763 = arith.mulf %sub3A_189, %sub3A_190 : vector<256x64xf32>
    %mul3A_764 = arith.mulf %mul3A_763, %sub3A_191 : vector<256x64xf32>
    %ge3A_765 = arith.constant 0 : i32
    %ge3A_766 = vector.broadcast %ge3A_765 : i32 to vector<256x64xi32>
    %ge3A_767 = arith.cmpi sge, %add3A_756, %ge3A_766 : vector<256x64xi32>
    %lt3A_768 = arith.constant 40 : i32
    %lt3A_769 = vector.broadcast %lt3A_768 : i32 to vector<256x64xi32>
    %lt3A_770 = arith.cmpi slt, %add3A_756, %lt3A_769 : vector<256x64xi32>
    %and3A_771 = arith.andi %ge3A_767, %lt3A_770 : vector<256x64xi1>
    %ge3A_772 = arith.constant 0 : i32
    %ge3A_773 = vector.broadcast %ge3A_772 : i32 to vector<256x64xi32>
    %ge3A_774 = arith.cmpi sge, %add3A_759, %ge3A_773 : vector<256x64xi32>
    %and3A_775 = arith.andi %and3A_771, %ge3A_774 : vector<256x64xi1>
    %lt3A_776 = arith.constant 40 : i32
    %lt3A_777 = vector.broadcast %lt3A_776 : i32 to vector<256x64xi32>
    %lt3A_778 = arith.cmpi slt, %add3A_759, %lt3A_777 : vector<256x64xi32>
    %and3A_779 = arith.andi %and3A_775, %lt3A_778 : vector<256x64xi1>
    %ge3A_780 = arith.constant 0 : i32
    %ge3A_781 = vector.broadcast %ge3A_780 : i32 to vector<256x64xi32>
    %ge3A_782 = arith.cmpi sge, %add3A_762, %ge3A_781 : vector<256x64xi32>
    %and3A_783 = arith.andi %and3A_779, %ge3A_782 : vector<256x64xi1>
    %lt3A_784 = arith.constant 8 : i32
    %lt3A_785 = vector.broadcast %lt3A_784 : i32 to vector<256x64xi32>
    %lt3A_786 = arith.cmpi slt, %add3A_762, %lt3A_785 : vector<256x64xi32>
    %and3A_787 = arith.andi %and3A_783, %lt3A_786 : vector<256x64xi1>
    %convert_element_type3A_788 = arith.extui %and3A_787 : vector<256x64xi1> to vector<256x64xi32>
    %convert_element_type3A_789 = arith.sitofp %convert_element_type3A_788 : vector<256x64xi32> to vector<256x64xf32>
    %mul3A_790 = arith.mulf %mul3A_764, %convert_element_type3A_789 : vector<256x64xf32>
    %mul3A_791 = arith.mulf %mul3A_790, %div3A_83 : vector<256x64xf32>
    %jit3A_792 = arith.constant 0 : i32
    %jit3A_793 = arith.constant 39 : i32
    %max3A_794 = vector.broadcast %jit3A_792 : i32 to vector<256x64xi32>
    %max3A_795 = arith.maxsi %max3A_794, %add3A_759 : vector<256x64xi32>
    %min3A_796 = vector.broadcast %jit3A_793 : i32 to vector<256x64xi32>
    %min3A_797 = arith.minsi %min3A_796, %max3A_795 : vector<256x64xi32>
    %mul3A_798 = arith.constant 320 : i32
    %mul3A_799 = vector.broadcast %mul3A_798 : i32 to vector<256x64xi32>
    %mul3A_800 = arith.muli %min3A_797, %mul3A_799 : vector<256x64xi32>
    %jit3A_801 = arith.constant 0 : i32
    %jit3A_802 = arith.constant 39 : i32
    %max3A_803 = vector.broadcast %jit3A_801 : i32 to vector<256x64xi32>
    %max3A_804 = arith.maxsi %max3A_803, %add3A_756 : vector<256x64xi32>
    %min3A_805 = vector.broadcast %jit3A_802 : i32 to vector<256x64xi32>
    %min3A_806 = arith.minsi %min3A_805, %max3A_804 : vector<256x64xi32>
    %mul3A_807 = arith.constant 8 : i32
    %mul3A_808 = vector.broadcast %mul3A_807 : i32 to vector<256x64xi32>
    %mul3A_809 = arith.muli %min3A_806, %mul3A_808 : vector<256x64xi32>
    %add3A_810 = arith.addi %mul3A_800, %mul3A_809 : vector<256x64xi32>
    %jit3A_811 = arith.constant 0 : i32
    %jit3A_812 = arith.constant 7 : i32
    %max3A_813 = vector.broadcast %jit3A_811 : i32 to vector<256x64xi32>
    %max3A_814 = arith.maxsi %max3A_813, %add3A_762 : vector<256x64xi32>
    %min3A_815 = vector.broadcast %jit3A_812 : i32 to vector<256x64xi32>
    %min3A_816 = arith.minsi %min3A_815, %max3A_814 : vector<256x64xi32>
    %add3A_817 = arith.addi %add3A_810, %min3A_816 : vector<256x64xi32>
    %mul3A_818 = arith.constant 8 : i32
    %mul3A_819 = vector.broadcast %mul3A_818 : i32 to vector<256x64xi32>
    %mul3A_820 = arith.muli %add3A_817, %mul3A_819 : vector<256x64xi32>
    %add3A_821 = arith.addi %mul3A_820, %select_n3A_244 : vector<256x64xi32>
    %concatenate3A = tpu.concatenate %add3A_318, %add3A_392, %add3A_466, %add3A_537, %add3A_611, %add3A_682, %add3A_753, %add3A_821 in 1 : vector<256x64xi32>, vector<256x64xi32>, vector<256x64xi32>, vector<256x64xi32>, vector<256x64xi32>, vector<256x64xi32>, vector<256x64xi32>, vector<256x64xi32> -> vector<256x512xi32>
    %swap3A_822 = arith.constant 0 : index
    %swap3A_823 = arith.constant 0 : index
    %swap3A_824 = vector.load %arg14[%swap3A_822, %swap3A_823] : memref<256x512xi32, #tpu.memory_space<vmem>>, vector<256x512xi32>
    tpu.vector_store %arg14[%swap3A_822, %swap3A_823], %concatenate3A {strides = array<i32>} : memref<256x512xi32, #tpu.memory_space<vmem>>, vector<256x512xi32>,
    %concatenate3A_825 = tpu.concatenate %mul3A_290, %mul3A_362, %mul3A_436, %mul3A_507, %mul3A_581, %mul3A_652, %mul3A_723, %mul3A_791 in 1 : vector<256x64xf32>, vector<256x64xf32>, vector<256x64xf32>, vector<256x64xf32>, vector<256x64xf32>, vector<256x64xf32>, vector<256x64xf32>, vector<256x64xf32> -> vector<256x512xf32>
    %swap3A_826 = arith.constant 0 : index
    %swap3A_827 = arith.constant 0 : index
    %swap3A_828 = vector.load %arg15[%swap3A_826, %swap3A_827] : memref<256x512xf32, #tpu.memory_space<vmem>>, vector<256x512xf32>
    tpu.vector_store %arg15[%swap3A_826, %swap3A_827], %concatenate3A_825 {strides = array<i32>} : memref<256x512xf32, #tpu.memory_space<vmem>>, vector<256x512xf32>,
    return
  }
  func.func @transform_0(%arg0: i32) -> (i32, i32) {
    %c0_i32 = arith.constant 0 : i32
    %c0_i32_0 = arith.constant 0 : i32
    return %arg0, %c0_i32 : i32, i32
  }
  func.func @transform_1(%arg0: i32) -> (i32, i32, i32) {
    %c0_i32 = arith.constant 0 : i32
    %c0_i32_0 = arith.constant 0 : i32
    %c0_i32_1 = arith.constant 0 : i32
    return %arg0, %c0_i32, %c0_i32_0 : i32, i32, i32
  }
  func.func @transform_2(%arg0: i32) -> (i32, i32) {
    %c0_i32 = arith.constant 0 : i32
    %c0_i32_0 = arith.constant 0 : i32
    %c0_i32_1 = arith.constant 0 : i32
    return %c0_i32, %c0_i32_0 : i32, i32
  }
  func.func @transform_3(%arg0: i32) -> i32 {
    %c0_i32 = arith.constant 0 : i32
    %c0_i32_0 = arith.constant 0 : i32
    return %c0_i32 : i32
  }
  func.func @transform_4(%arg0: i32) -> (i32, i32) {
    %c0_i32 = arith.constant 0 : i32
    %c0_i32_0 = arith.constant 0 : i32
    %c0_i32_1 = arith.constant 0 : i32
    return %c0_i32, %c0_i32_0 : i32, i32
  }
  func.func @transform_5(%arg0: i32) -> i32 {
    %c0_i32 = arith.constant 0 : i32
    %c0_i32_0 = arith.constant 0 : i32
    return %c0_i32 : i32
  }
  func.func @transform_6(%arg0: i32) -> (i32, i32) {
    %c0_i32 = arith.constant 0 : i32
    %c0_i32_0 = arith.constant 0 : i32
    %c0_i32_1 = arith.constant 0 : i32
    return %c0_i32, %c0_i32_0 : i32, i32
  }
  func.func @transform_7(%arg0: i32) -> i32 {
    %c0_i32 = arith.constant 0 : i32
    %c0_i32_0 = arith.constant 0 : i32
    return %c0_i32 : i32
  }
  func.func @transform_8(%arg0: i32) -> (i32, i32) {
    %c0_i32 = arith.constant 0 : i32
    %c0_i32_0 = arith.constant 0 : i32
    %c0_i32_1 = arith.constant 0 : i32
    return %c0_i32, %c0_i32_0 : i32, i32
  }
  func.func @transform_9(%arg0: i32) -> i32 {
    %c0_i32 = arith.constant 0 : i32
    %c0_i32_0 = arith.constant 0 : i32
    return %c0_i32 : i32
  }
  func.func @transform_10(%arg0: i32) -> (i32, i32) {
    %c0_i32 = arith.constant 0 : i32
    %c0_i32_0 = arith.constant 0 : i32
    %c0_i32_1 = arith.constant 0 : i32
    return %c0_i32, %c0_i32_0 : i32, i32
  }
  func.func @transform_11(%arg0: i32) -> i32 {
    %c0_i32 = arith.constant 0 : i32
    %c0_i32_0 = arith.constant 0 : i32
    return %c0_i32 : i32
  }
  func.func @transform_12(%arg0: i32) -> (i32, i32) {
    %c0_i32 = arith.constant 0 : i32
    %c0_i32_0 = arith.constant 0 : i32
    return %arg0, %c0_i32 : i32, i32
  }
  func.func @transform_13(%arg0: i32) -> (i32, i32) {
    %c0_i32 = arith.constant 0 : i32
    %c0_i32_0 = arith.constant 0 : i32
    return %arg0, %c0_i32 : i32, i32
  }
  func.func @transform_14(%arg0: i32) -> (i32, i32) {
    %c0_i32 = arith.constant 0 : i32
    %c0_i32_0 = arith.constant 0 : i32
    return %arg0, %c0_i32 : i32, i32
  }
}

module attributes {stable_mosaic.version = 14 : i64} {
  func.func @_stage_c_body(%arg0: i32, %arg1: memref<64x128x128xf32, #tpu.memory_space<vmem>>, %arg2: memref<64x128x4xf32, #tpu.memory_space<vmem>>, %arg3: memref<64x256xf32, #tpu.memory_space<vmem>>, %arg4: memref<256x256xf32, #tpu.memory_space<vmem>>, %arg5: memref<256xf32, #tpu.memory_space<vmem>>, %arg6: memref<64x256xf32, #tpu.memory_space<vmem>>) attributes {dimension_semantics = [#tpu.dimension_semantics<arbitrary>], iteration_bounds = array<i64: 200>, scalar_prefetch = 0 : i64, scratch_operands = 0 : i64, tpu.core_type = #tpu.core_type<tc>, window_params = [{transform_indices = @transform_0, window_bounds = array<i64: 64, 128, 128>}, {transform_indices = @transform_1, window_bounds = array<i64: 64, 128, 4>}, {transform_indices = @transform_2, window_bounds = array<i64: 64, 256>}, {pipeline_mode = #tpu.pipeline_mode<synchronous>, transform_indices = @transform_3, window_bounds = array<i64: 256, 256>}, {pipeline_mode = #tpu.pipeline_mode<synchronous>, transform_indices = @transform_4, window_bounds = array<i64: 256>}, {transform_indices = @transform_5, window_bounds = array<i64: 64, 256>}]} {
    %get3A = arith.constant 0 : index
    %get3A_0 = arith.constant 0 : index
    %get3A_1 = arith.constant 0 : index
    %get3A_2 = vector.load %arg1[%get3A, %get3A_0, %get3A_1] : memref<64x128x128xf32, #tpu.memory_space<vmem>>, vector<64x128x128xf32>
    %get3A_3 = arith.constant 0 : index
    %get3A_4 = arith.constant 0 : index
    %get3A_5 = arith.constant 0 : index
    %get3A_6 = vector.load %arg2[%get3A_3, %get3A_4, %get3A_5] : memref<64x128x4xf32, #tpu.memory_space<vmem>>, vector<64x128x4xf32>
    %broadcast_in_dim3A = arith.constant 0.000000e+00 : f32
    %broadcast_in_dim3A_7 = vector.broadcast %broadcast_in_dim3A : f32 to vector<64x128x32xf32>
    %slice3A = vector.extract_strided_slice %get3A_2 {offsets = [0, 0, 0], sizes = [64, 128, 32], strides = [1, 1, 1]} : vector<64x128x128xf32> to vector<64x128x32xf32>
    %slice3A_8 = vector.extract_strided_slice %get3A_6 {offsets = [0, 0, 0], sizes = [64, 128, 1], strides = [1, 1, 1]} : vector<64x128x4xf32> to vector<64x128x1xf32>
    %mul3A = vector.broadcast %slice3A_8 : vector<64x128x1xf32> to vector<64x128x32xf32>
    %mul3A_9 = arith.mulf %slice3A, %mul3A : vector<64x128x32xf32>
    %add3A = arith.addf %broadcast_in_dim3A_7, %mul3A_9 : vector<64x128x32xf32>
    %slice3A_10 = vector.extract_strided_slice %get3A_2 {offsets = [0, 0, 32], sizes = [64, 128, 32], strides = [1, 1, 1]} : vector<64x128x128xf32> to vector<64x128x32xf32>
    %slice3A_11 = vector.extract_strided_slice %get3A_6 {offsets = [0, 0, 1], sizes = [64, 128, 1], strides = [1, 1, 1]} : vector<64x128x4xf32> to vector<64x128x1xf32>
    %mul3A_12 = vector.broadcast %slice3A_11 : vector<64x128x1xf32> to vector<64x128x32xf32>
    %mul3A_13 = arith.mulf %slice3A_10, %mul3A_12 : vector<64x128x32xf32>
    %add3A_14 = arith.addf %add3A, %mul3A_13 : vector<64x128x32xf32>
    %slice3A_15 = vector.extract_strided_slice %get3A_2 {offsets = [0, 0, 64], sizes = [64, 128, 32], strides = [1, 1, 1]} : vector<64x128x128xf32> to vector<64x128x32xf32>
    %slice3A_16 = vector.extract_strided_slice %get3A_6 {offsets = [0, 0, 2], sizes = [64, 128, 1], strides = [1, 1, 1]} : vector<64x128x4xf32> to vector<64x128x1xf32>
    %mul3A_17 = vector.broadcast %slice3A_16 : vector<64x128x1xf32> to vector<64x128x32xf32>
    %mul3A_18 = arith.mulf %slice3A_15, %mul3A_17 : vector<64x128x32xf32>
    %add3A_19 = arith.addf %add3A_14, %mul3A_18 : vector<64x128x32xf32>
    %slice3A_20 = vector.extract_strided_slice %get3A_2 {offsets = [0, 0, 96], sizes = [64, 128, 32], strides = [1, 1, 1]} : vector<64x128x128xf32> to vector<64x128x32xf32>
    %slice3A_21 = vector.extract_strided_slice %get3A_6 {offsets = [0, 0, 3], sizes = [64, 128, 1], strides = [1, 1, 1]} : vector<64x128x4xf32> to vector<64x128x1xf32>
    %mul3A_22 = vector.broadcast %slice3A_21 : vector<64x128x1xf32> to vector<64x128x32xf32>
    %mul3A_23 = arith.mulf %slice3A_20, %mul3A_22 : vector<64x128x32xf32>
    %add3A_24 = arith.addf %add3A_19, %mul3A_23 : vector<64x128x32xf32>
    %reshape3A = vector.shape_cast %add3A_24 : vector<64x128x32xf32> to vector<64x8x16x32xf32>
    %reduce_sum3A = arith.constant dense<0.000000e+00> : vector<64x16x32xf32>
    %reduce_sum3A_25 = vector.multi_reduction <add>, %reshape3A, %reduce_sum3A [1] : vector<64x8x16x32xf32> to vector<64x16x32xf32>
    %slice3A_26 = vector.extract_strided_slice %reduce_sum3A_25 {offsets = [0, 0, 0], sizes = [64, 8, 32], strides = [1, 1, 1]} : vector<64x16x32xf32> to vector<64x8x32xf32>
    %slice3A_27 = vector.extract_strided_slice %reduce_sum3A_25 {offsets = [0, 8, 0], sizes = [64, 8, 32], strides = [1, 1, 1]} : vector<64x16x32xf32> to vector<64x8x32xf32>
    %add3A_28 = arith.addf %slice3A_26, %slice3A_27 : vector<64x8x32xf32>
    %mul3A_29 = arith.constant 5.000000e-01 : f32
    %mul3A_30 = vector.broadcast %mul3A_29 : f32 to vector<64x8x32xf32>
    %mul3A_31 = arith.mulf %mul3A_30, %add3A_28 : vector<64x8x32xf32>
    %reshape3A_32 = vector.shape_cast %mul3A_31 : vector<64x8x32xf32> to vector<64x256xf32>
    %get3A_33 = arith.constant 0 : index
    %get3A_34 = arith.constant 0 : index
    %get3A_35 = vector.load %arg4[%get3A_33, %get3A_34] : memref<256x256xf32, #tpu.memory_space<vmem>>, vector<256x256xf32>
    %dot_general3A = arith.constant dense<0.000000e+00> : vector<64x256xf32>
    %dot_general3A_36 = tpu.matmul %reshape3A_32, %get3A_35, %dot_general3A {dimension_numbers = #tpu.dot_dimension_numbers<[1], [0], [0], [1], [0, 0, 1, 1], [], []>, precision = #tpu.contract_precision<fp32>, transpose_lhs_hint = false} : vector<64x256xf32>, vector<256x256xf32>, vector<64x256xf32> -> vector<64x256xf32>
    %get3A_37 = arith.constant 0 : index
    %get3A_38 = vector.load %arg5[%get3A_37] : memref<256xf32, #tpu.memory_space<vmem>>, vector<256xf32>
    %broadcast_in_dim3A_39 = vector.shape_cast %get3A_38 : vector<256xf32> to vector<1x256xf32>
    %add3A_40 = vector.broadcast %broadcast_in_dim3A_39 : vector<1x256xf32> to vector<64x256xf32>
    %add3A_41 = arith.addf %dot_general3A_36, %add3A_40 : vector<64x256xf32>
    %get3A_42 = arith.constant 0 : index
    %get3A_43 = arith.constant 0 : index
    %get3A_44 = vector.load %arg3[%get3A_42, %get3A_43] : memref<64x256xf32, #tpu.memory_space<vmem>>, vector<64x256xf32>
    %add3A_45 = arith.addf %add3A_41, %get3A_44 : vector<64x256xf32>
    %swap3A = arith.constant 0 : index
    %swap3A_46 = arith.constant 0 : index
    %swap3A_47 = vector.load %arg6[%swap3A, %swap3A_46] : memref<64x256xf32, #tpu.memory_space<vmem>>, vector<64x256xf32>
    tpu.vector_store %arg6[%swap3A, %swap3A_46], %add3A_45 {strides = array<i32>} : memref<64x256xf32, #tpu.memory_space<vmem>>, vector<64x256xf32>,
    return
  }
  func.func @transform_0(%arg0: i32) -> (i32, i32, i32) {
    %c0_i32 = arith.constant 0 : i32
    %c0_i32_0 = arith.constant 0 : i32
    %c0_i32_1 = arith.constant 0 : i32
    return %arg0, %c0_i32, %c0_i32_0 : i32, i32, i32
  }
  func.func @transform_1(%arg0: i32) -> (i32, i32, i32) {
    %c0_i32 = arith.constant 0 : i32
    %c0_i32_0 = arith.constant 0 : i32
    %c0_i32_1 = arith.constant 0 : i32
    return %arg0, %c0_i32, %c0_i32_0 : i32, i32, i32
  }
  func.func @transform_2(%arg0: i32) -> (i32, i32) {
    %c0_i32 = arith.constant 0 : i32
    %c0_i32_0 = arith.constant 0 : i32
    return %arg0, %c0_i32 : i32, i32
  }
  func.func @transform_3(%arg0: i32) -> (i32, i32) {
    %c0_i32 = arith.constant 0 : i32
    %c0_i32_0 = arith.constant 0 : i32
    %c0_i32_1 = arith.constant 0 : i32
    return %c0_i32, %c0_i32_0 : i32, i32
  }
  func.func @transform_4(%arg0: i32) -> i32 {
    %c0_i32 = arith.constant 0 : i32
    %c0_i32_0 = arith.constant 0 : i32
    return %c0_i32 : i32
  }
  func.func @transform_5(%arg0: i32) -> (i32, i32) {
    %c0_i32 = arith.constant 0 : i32
    %c0_i32_0 = arith.constant 0 : i32
    return %arg0, %c0_i32 : i32, i32
  }
}

</mosaic_0001>

<sc_bundles>
// kernel: kernel.5.cloned.1.call-start
scs
__scs_entry_jumppad:
0x0: {  	(pc) =	sbr.rel $0x88, $3  }
0x1: {  	(tag) =	ssettag $0x0;
	lr =	simm.s32 $0x1  }
0x2: {  	[smem:$0x3F97] =	sst lr;
	_ =	strace $0xD0000000  }
0x3: {  	_ = 	snop  }
0x4: {  	_ = 	snop  }
0x5: {  	_ = 	snop  }
0x6: {  	_ = 	snop  }
0x7: {  	_ = 	snop  }
__scs_overlays_trampoline_lowered:
0x8: {  	[smem:$0x3FA6] =	sst s0  }
0x9: {  	[smem:$0x3FA7] =	sst s1  }
0xa: {  	[smem:$0x3FA8] =	sst s2  }
0xb: {  	[smem:$0x3FA9] =	sst s3  }
0xc: {  	[smem:$0x3FAA] =	sst s4  }
0xd: {  	[smem:$0x3FAB] =	sst s5  }
0xe: {  	[smem:$0x3FAC] =	sst s6  }
0xf: {  	[smem:$0x3FAD] =	sst s7  }
0x10: {  	[smem:$0x3FAE] =	sst s8  }
0x11: {  	[smem:$0x3FAF] =	sst s9;
	s0 =	simm.s32 @!p0 $0x0  }
0x12: {  	s1 =	sld [smem:$0x3F95];
	s0 =	simm.s32 @p0 $0x1  }
0x13: {  	[smem:$0x3FB0] =	sst s0;
	s0 =	simm.s32 @!p1 $0x0  }
0x14: {  	s2 =	sld [smem:$0x3F94];
	s0 =	simm.s32 @p1 $0x1  }
0x15: {  	[smem:$0x3FB1] =	sst s0;
	s0 =	simm.s32 @!p2 $0x0  }
0x16: {  	s3 =	sld [smem:$0x3FDB];
	s0 =	simm.s32 @p2 $0x1  }
0x17: {  	s4 =	simm.s32 $0x1BF5;
	[smem:$0x3FB3] =	sst s0  }
0x18: {  	s0 =	sld [smem:$0x3F96];
	_ =	swait.ge [sflag:s4], $0x0  }
0x19: {  	s7 =	sld [smem:$0x3F97]  }
0x1a: {  	s8 =	sadd.s32 $0xFFFFE003, lr  }
0x1b: {  	s9 =	sadd.s32 $0xFFFFFEF7, lr;
	s5 =	simm.s32 $0xFFFFFFFF;
	p2 =	slt.u32 s8, $0xFFFFF086  }
0x1c: {  	p1 =	slt.u32 s9, $0xF7A;
	s5 =	simm.s32 @!p2 $0x0  }
0x1d: {  	s5 =	simm.s32 @p1 $0x1;
	p0 =	seq.s32 s7, s2  }
0x1e: {  	s7 =	smul.u32 @!p0 $0xF7A, s2;
	p2 =	seq.s32 @!p0 s5, $0x0  }
0x1f: {  	s9 =	smul.u32 $0xF7A, s1;
	s8 =	simm.s32 @!p0 $0x1BF5;
	p2 =	por !p2, p0  }
0x20: {  	[sflag:s8] =	ssyncset.s32 @!p0 $0xFFFFF086;
	s6 =	sadd.s32 @!p0 s3, s7;
	s7 =	simm.s32 @!p0 $0x108  }
0x21: {  	s3 =	sadd.s32 s3, s9;
	s6 =	sadd.s32 @!p0 $0x88, s6;
	s7 =	simm.s32 @p2 $0x1082  }
0x22: {  	[simem:s7], [sflag:s8] =	dma.local @!p0 [hbm:s6], $0xF7A  }
0x23: {  	s9 =	sor.u32 $0xD0000000, s2;
	s6 =	simm.s32 $0x108;
	_ =	swait.ge @!p0 [sflag:s8], $0x0  }
0x24: {  	s3 =	sadd.s32 $0x88, s3;
	s6 =	simm.s32 @!p1 $0x1082;
	[sflag:s4] =	ssyncset.s32 $0xFFFFF086  }
0x25: {  	[simem:s6], [sflag:s4] =	dma.local [hbm:s3], $0xF7A  }
0x26: {  	[smem:$0x3F97] =	sst s1;
	(tag) =	ssettag s2;
	_ =	strace s9  }
0x27: {  	s1 =	sld [smem:$0x3FA7]  }
0x28: {  	s2 =	sld [smem:$0x3FA8]  }
0x29: {  	s4 =	sld [smem:$0x3FAA]  }
0x2a: {  	p0 =	seq.s32 s5, $0x0;
	s5 =	sld [smem:$0x3FAB]  }
0x2b: {  	s6 =	sld [smem:$0x3FAC]  }
0x2c: {  	s7 =	sld [smem:$0x3FAD]  }
0x2d: {  	s3 =	simm.s32 $0x108;
	s8 =	sld [smem:$0x3FAE]  }
0x2e: {  	s3 =	simm.s32 @!p0 $0x1082;
	s9 =	sld [smem:$0x3FAF]  }
0x2f: {  	lr =	sadd.s32 s0, s3;
	s0 =	sld [smem:$0x3FA6]  }
0x30: {  	s3 =	sld [smem:$0x3FA9]  }
0x31: {  	[smem:$0x3FB2] =	sst s10  }
0x32: {  	s10 =	sld [smem:$0x3FB0];
	_ =	sdelay $0x3  }
0x33: {  	p0 =	seq.s32 s10, $0x1;
	s10 =	sld [smem:$0x3FB2];
	_ =	sdelay $0x3  }
0x34: {  	[smem:$0x3FB2] =	sst s10  }
0x35: {  	s10 =	sld [smem:$0x3FB1];
	_ =	sdelay $0x3  }
0x36: {  	p1 =	seq.s32 s10, $0x1;
	s10 =	sld [smem:$0x3FB2];
	_ =	sdelay $0x3  }
0x37: {  	[smem:$0x3FB2] =	sst s10  }
0x38: {  	s10 =	sld [smem:$0x3FB3]  }
0x39: {  	_ = 	snop;
	(pc) =	sbr.ind lr, $3  }
0x3a: {  	_ = 	snop  }
0x3b: {  	_ = 	snop  }
0x3c: {  	p2 =	seq.s32 s10, $0x1;
	s10 =	sld [smem:$0x3FB2]  }
0x3d: {  	_ =	shalt  }
0x3e: {  	_ =	shalt  }
0x3f: {  	_ =	shalt  }
0x40: {  	_ =	shalt  }
0x41: {  	_ =	shalt  }
0x42: {  	_ =	shalt  }
0x43: {  	_ =	shalt  }
0x44: {  	_ =	shalt  }
0x45: {  	_ =	shalt  }
0x46: {  	_ =	shalt  }
0x47: {  	_ =	shalt  }
0x48: {  	_ =	shalt  }
0x49: {  	_ =	shalt  }
0x4a: {  	_ =	shalt  }
0x4b: {  	_ =	shalt  }
0x4c: {  	_ =	shalt  }
0x4d: {  	_ =	shalt  }
0x4e: {  	_ =	shalt  }
0x4f: {  	_ =	shalt  }
0x50: {  	_ =	shalt  }
0x51: {  	_ =	shalt  }
0x52: {  	_ =	shalt  }
0x53: {  	_ =	shalt  }
0x54: {  	_ =	shalt  }
0x55: {  	_ =	shalt  }
0x56: {  	_ =	shalt  }
0x57: {  	_ =	shalt  }
0x58: {  	_ =	shalt  }
0x59: {  	_ =	shalt  }
0x5a: {  	_ =	shalt  }
0x5b: {  	_ =	shalt  }
0x5c: {  	_ =	shalt  }
0x5d: {  	_ =	shalt  }
0x5e: {  	_ =	shalt  }
0x5f: {  	_ =	shalt  }
0x60: {  	_ =	shalt  }
0x61: {  	_ =	shalt  }
0x62: {  	_ =	shalt  }
0x63: {  	_ =	shalt  }
0x64: {  	_ =	shalt  }
0x65: {  	_ =	shalt  }
0x66: {  	_ =	shalt  }
0x67: {  	_ =	shalt  }
0x68: {  	_ =	shalt  }
0x69: {  	_ =	shalt  }
0x6a: {  	_ =	shalt  }
0x6b: {  	_ =	shalt  }
0x6c: {  	_ =	shalt  }
0x6d: {  	_ =	shalt  }
0x6e: {  	_ =	shalt  }
0x6f: {  	_ =	shalt  }
0x70: {  	_ =	shalt  }
0x71: {  	_ =	shalt  }
0x72: {  	_ =	shalt  }
0x73: {  	_ =	shalt  }
0x74: {  	_ =	shalt  }
0x75: {  	_ =	shalt  }
0x76: {  	_ =	shalt  }
0x77: {  	_ =	shalt  }
0x78: {  	_ =	shalt  }
0x79: {  	_ =	shalt  }
0x7a: {  	_ =	shalt  }
0x7b: {  	_ =	shalt  }
0x7c: {  	_ =	shalt  }
0x7d: {  	_ =	shalt  }
0x7e: {  	_ =	shalt  }
0x7f: {  	_ =	shalt  }
0x80: {  	_ =	shalt  }
0x81: {  	_ =	shalt  }
0x82: {  	_ =	shalt  }
0x83: {  	_ =	shalt  }
0x84: {  	_ =	shalt  }
0x85: {  	_ =	shalt  }
0x86: {  	_ =	shalt  }
0x87: {  	_ =	shalt  }
.Lfunc_end0:
.L_simem_size_0:
called_computation_lowered:
.L_overlay_start_0:
0x88: {  	s2 =	sld [smem:$0x3FD9]  }
0x89: {  	s3 =	sld [smem:$0x3FFE];
	_ =	sdelay $0x1  }
0x8a: {  	s1 =	srdreg.scid  }
0x8b: {  	s0 =	sand.u32 $0x1, s1  }
0x8c: {  	s17 =	sshll.u32 s0, $0xA;
	s2 =	sadd.s32 s3, s2  }
0x8d: {  	s2 =	sadd.s32 s2, s17  }
0x8e: {  	[smem:$0x3FBE] =	sst s2  }
0x8f: {  	_ = 	snop  }
0x90: {  	s2 =	sld [smem:$0x3FD0];
	(tm) =	ssettm $0x1  }
0x91: {  	s18 =	sld [smem:$0x3FFB];
	_ =	sdelay $0x3  }
0x92: {  	_ =	strace s18  }
0x93: {  	s3 =	sld [smem:$0x3FFC];
	_ =	sdelay $0x3  }
0x94: {  	_ =	strace s3  }
0x95: {  	s3 =	sld [smem:$0x3FFD];
	_ =	sdelay $0x3  }
0x96: {  	_ =	strace s3  }
0x97: {  	_ =	strace $0x8FFFFFFF  }
0x98: {  	s19 =	sld [smem:$0x3FDB];
	_ =	sdelay $0x1  }
0x99: {  	s4 =	simm.s32 $_scs_section_size  }
0x9a: {  	s5 =	simm.s32 $_size__tile_overlayer_lowered;
	s6 =	simm.s32 $_tile_overlayer_lowered  }
0x9b: {  	s22 =	simm.s32 $0x1BFF;
	s21 =	sshll.u32 s6, $0x1;
	s3 =	sadd.s32 s4, s19  }
0x9c: {  	s7 =	simm.s32 $0x0;
	s20 =	sshll.u32 s5, $0x1;
	s5 =	sadd.s32 s21, s3  }
0x9d: {  	[timem:s7], [sflag:s22] =	dma.local [hbm:s5], s20  }
0x9e: {  	_ =	swait.ge [sflag:s22], s20  }
0x9f: {  	s4 =	ssub.s32 $0x0, s20;
	[sflag:s22] =	ssyncset.done $0x0  }
0xa0: {  	[sflag:s22] =	ssyncadd.s32 s4;
	_ =	sdelay $0x1  }
0xa1: {  	s23 =	simm.s32 $0x1B8B  }
0xa2: {  	_ =	swait.ge [sflag:s23], $0x1  }
0xa3: {  	[sflag:s23] =	ssyncset.done $0x0  }
0xa4: {  	s25 =	simm.s32 $0x1B8E;
	s24 =	sld [smem:$0x3FFE];
	[sflag:s23] =	ssyncadd.s32 $0xFFFFFFFF  }
0xa5: {  	s26 =	simm.s32 $execute0_lowered;
	[smem:$0x3FD2] =	sst s25  }
0xa6: {  	s5 =	sshll.u32 s26, $0x1;
	_ =	strace $0x80000046;
	[dreg:$0x1] =	wrdreg $0xFFFFFFFF  }
0xa7: {  	s28 =	simm.s32 $_size_execute0_lowered;
	s3 =	sadd.s32 s3, s5;
	[dreg:$0x0] =	wrdreg $0x0  }
0xa8: {  	s5 =	sshll.u32 s28, $0x1;
	[dreg:$0x2] =	wrdreg s3  }
0xa9: {  	[dreg:$0x3] =	wrdreg s5  }
0xaa: {  	[dreg:$0x4] =	wrdreg $0xC0  }
0xab: {  	_ =	task [dreg:s7], $0x5FFFF  }
0xac: {  	[dreg:$0x1] =	wrdreg $0xFFFFFFFF  }
0xad: {  	[dreg:$0x0] =	wrdreg $0x60  }
0xae: {  	[dreg:$0x2] =	wrdreg s2  }
0xaf: {  	[dreg:$0x3] =	wrdreg s24  }
0xb0: {  	[dreg:$0x4] =	wrdreg $0x9  }
0xb1: {  	_ =	task.clear_ibuf [dreg:s7], $0x5FFFF;
	_ =	strace $0x90000046  }
0xb2: {  	s29 =	simm.s32 $0x9;
	_ =	strace $0x80000048  }
0xb3: {  	_ =	swait.ge [sflag:s29], $0x1  }
0xb4: {  	[sflag:s29] =	ssyncadd.s32 $0xFFFFFFFF  }
0xb5: {  	_ =	strace $0x90000048  }
0xb6: {  	_ =	sfence  }
0xb7: {  	s30 =	sld [smem:$0x0];
	_ =	sdelay $0x2  }
0xb8: {  	s31 =	sshll.u32 s1, $0xD;
	s1 =	sshrl.u32 s1, $0x2  }
0xb9: {  	s3 =	sand.u32 $0x4000, s31;
	s1 =	sadd.s32 s1, s30  }
0xba: {  	s0 =	sor.u32 s3, s0;
	s1 =	sshll.u32 s1, $0x11  }
0xbb: {  	s0 =	sor.u32 s1, s0  }
0xbc: {  	s0 =	sadd.s32 $0x8F2B, s0  }
0xbd: {  	[sflag:s0] =	ssyncadd.remote.s32 $0x1  }
0xbe: {  	_ =	sfence.sel $0xFFFF  }
0xbf: {  	[dreg:$0x0] =	wrdreg $0xFFFFFFFF;
	(pc) =	sbr.abs _section_cstart, $3  }
0xc0: {  	[dreg:$0x1] =	wrdreg $0xFFFFFFFF  }
0xc1: {  	_ =	task.clear_ibuf [dreg:s7], $0x2FFFF;
	_ =	strace $0x9FFFFFFF  }
0xc2: {  	(tm) =	ssettm $0x7FFFFFFF  }
0xc3: {  	_ =	shalt  }
tec
execute0_lowered:
.L_overlay_start_1:
0x0: {  	(tag) =	ssettag $0x1  }
0x1: {  	s0 =	srdreg.scid  }
0x2: {  	s5 =	stileid.u32;
	s2 =	rddreg [dreg:$0x0]  }
0x3: {  	s4 =	rddreg [dreg:$0x1];
	s19 =	simm.s32 $0x1800;
	s20 =	simm.s32 $0x100  }
0x4: {  	s21 =	simm.s32 $0x2800;
	s22 =	simm.s32 $0x180;
	s23 =	simm.s32 $0x3800  }
0x5: {  	s24 =	simm.s32 $0x200;
	s25 =	simm.s32 $0x4800;
	s26 =	simm.s32 $0x280  }
0x6: {  	s7 =	simm.s32 $0x80;
	s0 =	sand.u32 $0x1, s0;
	s1 =	smul.u32 $0x64000, s5  }
0x7: {  	s31 =	simm.s32 $0x5800;
	s8 =	simm.s32 $0x800;
	s3 =	smul.u32 $0x32000, s0  }
0x8: {  	s9 =	simm.s32 $0x300;
	s10 =	simm.s32 $0x6800;
	s11 =	simm.s32 $0x380  }
0x9: {  	s12 =	simm.s32 $0x7800;
	s1 =	sadd.s32 s3, s1;
	s3 =	simm.s32 $0x0  }
0xa: {  	s13 =	simm.s32 $0x400;
	s14 =	simm.s32 $0x8800;
	[smem:$0x7FF] =	sst s3  }
0xb: {  	s15 =	simm.s32 $0x480;
	_ =	strace $0x80000047;
	[dreg:$0x4] =	wrdreg s19  }
0xc: {  	s16 =	simm.s32 $0x9800;
	s17 =	simm.s32 $0x500;
	[dreg:$0x5] =	wrdreg s20  }
0xd: {  	s28 =	simm.s32 $0x780;
	s29 =	simm.s32 $0xF800;
	[dreg:$0x6] =	wrdreg s21  }
0xe: {  	s30 =	simm.s32 $0x1;
	s5 =	smul.u32 $0x190000, s5;
	[dreg:$0x7] =	wrdreg s22  }
0xf: {  	s18 =	ssub.s32 $0x2, s0;
	s0 =	smul.u32 $0xC8000, s0;
	[dreg:$0x8] =	wrdreg s23  }
0x10: {  	s6 =	sshrl.u32 s18, $0x1;
	s1 =	sshrl.u32 s1, $0x3;
	[dreg:$0x9] =	wrdreg s24  }
0x11: {  	s1 =	sadd.s32 s1, s4;
	s4 =	sadd.s32 s5, s4;
	[dreg:$0xa] =	wrdreg s25  }
0x12: {  	s5 =	ssub.s32 s18, s6;
	s6 =	simm.s32 $0x2;
	[dreg:$0xb] =	wrdreg s26  }
0x13: {  	[dreg:$0xc] =	wrdreg s31;
	s18 =	simm.s32 $0xA800;
	s19 =	simm.s32 $0x580  }
0x14: {  	s20 =	simm.s32 $0xB800;
	s21 =	simm.s32 $0x600;
	s22 =	simm.s32 $0xC800  }
0x15: {  	s23 =	simm.s32 $0x680;
	s24 =	simm.s32 $0xD800;
	s1 =	sadd.s32 $0x190600, s1  }
0x16: {  	s5 =	smax.u32 s5, $0x1;
	s0 =	sadd.s32 s0, s4;
	[dreg:$0x3] =	wrdreg s1  }
0x17: {  	s25 =	simm.s32 $0x700;
	[dreg:$0xd] =	wrdreg s5;
	s0 =	sadd.s32 $0x258600, s0  }
0x18: {  	s26 =	simm.s32 $0xE800;
	s1 =	simm.s32 $0x0;
	[dreg:$0xe] =	wrdreg s0  }
.LBB2_1:
0x19: {  	s0 =	rddreg [dreg:$0x3]  }
0x1a: {  	[dreg:$0xf] =	wrdreg s1;
	s0 =	sadd.s32 $0x0, s0  }
0x1b: {  	[tilespmem:s3], [sflag:$0x2] =	stream.linear.gather [hbm4b:s0+s3], $0x800, $0x38;
	[tilespmem:$0x10800] =	vst v63  }
0x1c: {  	_ =	swait.ge [sflag:s6], $0x800  }
0x1d: {  	s0 =	rddreg [dreg:$0x5]  }
0x1e: {  	[sflag:s6] =	ssyncset.done $0x0;
	s31 =	rddreg [dreg:$0x4]  }
0x1f: {  	s5 =	rddreg [dreg:$0x6];
	[sflag:s6] =	ssyncadd.s32 $0xFFFFF800  }
0x20: {  	[tilespmem:s8], [sflag:$0x1] =	stream.indirect.gather [hbm4b:s2+s7], $0x20, s3, s7, $0xb8;
	[tilespmem:$0x10800] =	vst v63  }
0x21: {  	s4 =	rddreg [dreg:$0x8]  }
0x22: {  	[tilespmem:s31], [sflag:$0x1] =	stream.indirect.gather [hbm4b:s2+s7], $0x20, s7, s7, $0xb8;
	[tilespmem:$0x10800] =	vst v63  }
0x23: {  	s31 =	rddreg [dreg:$0x7]  }
0x24: {  	[tilespmem:s5], [sflag:$0x1] =	stream.indirect.gather [hbm4b:s2+s7], $0x20, s0, s7, $0xb8;
	[tilespmem:$0x10800] =	vst v63  }
0x25: {  	s0 =	rddreg [dreg:$0xa]  }
0x26: {  	s5 =	rddreg [dreg:$0x9]  }
0x27: {  	[tilespmem:s4], [sflag:$0x1] =	stream.indirect.gather [hbm4b:s2+s7], $0x20, s31, s7, $0xb8;
	[tilespmem:$0x10800] =	vst v63  }
0x28: {  	s4 =	rddreg [dreg:$0xc]  }
0x29: {  	[tilespmem:s0], [sflag:$0x1] =	stream.indirect.gather [hbm4b:s2+s7], $0x20, s5, s7, $0xb8;
	[tilespmem:$0x10800] =	vst v63  }
0x2a: {  	s31 =	rddreg [dreg:$0xb]  }
0x2b: {  	[tilespmem:s4], [sflag:$0x1] =	stream.indirect.gather [hbm4b:s2+s7], $0x20, s31, s7, $0xb8;
	[tilespmem:$0x10800] =	vst v63  }
0x2c: {  	_ = 	snop  }
0x2d: {  	[tilespmem:s10], [sflag:$0x1] =	stream.indirect.gather [hbm4b:s2+s7], $0x20, s9, s7, $0xb8;
	[tilespmem:$0x10800] =	vst v63  }
0x2e: {  	_ = 	snop  }
0x2f: {  	[tilespmem:s12], [sflag:$0x1] =	stream.indirect.gather [hbm4b:s2+s7], $0x20, s11, s7, $0xb8;
	[tilespmem:$0x10800] =	vst v63  }
0x30: {  	_ = 	snop  }
0x31: {  	[tilespmem:s14], [sflag:$0x1] =	stream.indirect.gather [hbm4b:s2+s7], $0x20, s13, s7, $0xb8;
	[tilespmem:$0x10800] =	vst v63  }
0x32: {  	_ = 	snop  }
0x33: {  	[tilespmem:s16], [sflag:$0x1] =	stream.indirect.gather [hbm4b:s2+s7], $0x20, s15, s7, $0xb8;
	[tilespmem:$0x10800] =	vst v63  }
0x34: {  	_ = 	snop  }
0x35: {  	[tilespmem:s18], [sflag:$0x1] =	stream.indirect.gather [hbm4b:s2+s7], $0x20, s17, s7, $0xb8;
	[tilespmem:$0x10800] =	vst v63  }
0x36: {  	_ = 	snop  }
0x37: {  	[tilespmem:s20], [sflag:$0x1] =	stream.indirect.gather [hbm4b:s2+s7], $0x20, s19, s7, $0xb8;
	[tilespmem:$0x10800] =	vst v63  }
0x38: {  	_ = 	snop  }
0x39: {  	[tilespmem:s22], [sflag:$0x1] =	stream.indirect.gather [hbm4b:s2+s7], $0x20, s21, s7, $0xb8;
	[tilespmem:$0x10800] =	vst v63  }
0x3a: {  	_ = 	snop  }
0x3b: {  	[tilespmem:s24], [sflag:$0x1] =	stream.indirect.gather [hbm4b:s2+s7], $0x20, s23, s7, $0xb8;
	[tilespmem:$0x10800] =	vst v63  }
0x3c: {  	_ = 	snop  }
0x3d: {  	[tilespmem:s26], [sflag:$0x1] =	stream.indirect.gather [hbm4b:s2+s7], $0x20, s25, s7, $0xb8;
	[tilespmem:$0x10800] =	vst v63  }
0x3e: {  	_ = 	snop  }
0x3f: {  	[tilespmem:s29], [sflag:$0x1] =	stream.indirect.gather [hbm4b:s2+s7], $0x20, s28, s7, $0xb8;
	[tilespmem:$0x10800] =	vst v63  }
0x40: {  	_ =	swait.ge [sflag:s30], $0x1000  }
0x41: {  	[sflag:s30] =	ssyncset.done $0x0  }
0x42: {  	[sflag:s30] =	ssyncadd.s32 $0xFFFFF000  }
0x43: {  	_ =	swait.ge [sflag:s30], $0x1000  }
0x44: {  	[sflag:s30] =	ssyncset.done $0x0  }
0x45: {  	[sflag:s30] =	ssyncadd.s32 $0xFFFFF000  }
0x46: {  	_ =	swait.ge [sflag:s30], $0x1000  }
0x47: {  	[sflag:s30] =	ssyncset.done $0x0  }
0x48: {  	[sflag:s30] =	ssyncadd.s32 $0xFFFFF000  }
0x49: {  	_ =	swait.ge [sflag:s30], $0x1000  }
0x4a: {  	[sflag:s30] =	ssyncset.done $0x0  }
0x4b: {  	[sflag:s30] =	ssyncadd.s32 $0xFFFFF000  }
0x4c: {  	_ =	swait.ge [sflag:s30], $0x1000  }
0x4d: {  	[sflag:s30] =	ssyncset.done $0x0  }
0x4e: {  	[sflag:s30] =	ssyncadd.s32 $0xFFFFF000  }
0x4f: {  	_ =	swait.ge [sflag:s30], $0x1000  }
0x50: {  	[sflag:s30] =	ssyncset.done $0x0  }
0x51: {  	[sflag:s30] =	ssyncadd.s32 $0xFFFFF000  }
0x52: {  	_ =	swait.ge [sflag:s30], $0x1000  }
0x53: {  	[sflag:s30] =	ssyncset.done $0x0  }
0x54: {  	[sflag:s30] =	ssyncadd.s32 $0xFFFFF000  }
0x55: {  	_ =	swait.ge [sflag:s30], $0x1000  }
0x56: {  	[sflag:s30] =	ssyncset.done $0x0  }
0x57: {  	[sflag:s30] =	ssyncadd.s32 $0xFFFFF000  }
0x58: {  	_ =	swait.ge [sflag:s30], $0x1000  }
0x59: {  	[sflag:s30] =	ssyncset.done $0x0  }
0x5a: {  	[sflag:s30] =	ssyncadd.s32 $0xFFFFF000  }
0x5b: {  	_ =	swait.ge [sflag:s30], $0x1000  }
0x5c: {  	[sflag:s30] =	ssyncset.done $0x0  }
0x5d: {  	[sflag:s30] =	ssyncadd.s32 $0xFFFFF000  }
0x5e: {  	_ =	swait.ge [sflag:s30], $0x1000  }
0x5f: {  	[sflag:s30] =	ssyncset.done $0x0  }
0x60: {  	[sflag:s30] =	ssyncadd.s32 $0xFFFFF000  }
0x61: {  	_ =	swait.ge [sflag:s30], $0x1000  }
0x62: {  	[sflag:s30] =	ssyncset.done $0x0  }
0x63: {  	[sflag:s30] =	ssyncadd.s32 $0xFFFFF000  }
0x64: {  	_ =	swait.ge [sflag:s30], $0x1000  }
0x65: {  	[sflag:s30] =	ssyncset.done $0x0  }
0x66: {  	[sflag:s30] =	ssyncadd.s32 $0xFFFFF000  }
0x67: {  	_ =	swait.ge [sflag:s30], $0x1000  }
0x68: {  	[sflag:s30] =	ssyncset.done $0x0  }
0x69: {  	[sflag:s30] =	ssyncadd.s32 $0xFFFFF000  }
0x6a: {  	_ =	swait.ge [sflag:s30], $0x1000  }
0x6b: {  	[sflag:s30] =	ssyncset.done $0x0  }
0x6c: {  	[sflag:s30] =	ssyncadd.s32 $0xFFFFF000  }
0x6d: {  	_ =	swait.ge [sflag:s30], $0x1000  }
0x6e: {  	[sflag:s30] =	ssyncset.done $0x0;
	s5 =	rddreg [dreg:$0xe]  }
0x6f: {  	s1 =	simm.s32 $0x100;
	[sflag:s30] =	ssyncadd.s32 $0xFFFFF000;
	s0 =	sadd.s32 $0x2000, s5  }
.LBB2_2:
0x70: {  	[hbm4b:s5+s3] =	stream.linear.scatter [tilespmem:s8], [sflag:$0x2], $0x10000, $0x38;
	[tilespmem:$0x10800] =	vst v63  }
0x71: {  	_ =	swait.ge [sflag:s6], $0x10000  }
0x72: {  	s4 =	smov.u32 s1;
	s31 =	rddreg [dreg:$0x3];
	[sflag:s6] =	ssyncset.done $0x0  }
0x73: {  	[sflag:s6] =	ssyncadd.s32 $0xFFFF0000;
	s4 =	sadd.s32 s4, s31  }
0x74: {  	[tilespmem:s3], [sflag:$0x2] =	stream.linear.gather [hbm4b:s4+s3], $0x800, $0x38;
	[tilespmem:$0x10800] =	vst v63  }
0x75: {  	_ =	swait.ge [sflag:s6], $0x800  }
0x76: {  	s4 =	rddreg [dreg:$0xc]  }
0x77: {  	s31 =	rddreg [dreg:$0xa]  }
0x78: {  	[sflag:s6] =	ssyncset.done $0x0;
	s9 =	rddreg [dreg:$0x5]  }
0x79: {  	s10 =	rddreg [dreg:$0x4];
	[sflag:s6] =	ssyncadd.s32 $0xFFFFF800  }
0x7a: {  	[tilespmem:s8], [sflag:$0x1] =	stream.indirect.gather [hbm4b:s2+s7], $0x20, s3, s7, $0xb8;
	[tilespmem:$0x10800] =	vst v63  }
0x7b: {  	s11 =	rddreg [dreg:$0x6]  }
0x7c: {  	[tilespmem:s10], [sflag:$0x1] =	stream.indirect.gather [hbm4b:s2+s7], $0x20, s7, s7, $0xb8;
	[tilespmem:$0x10800] =	vst v63  }
0x7d: {  	s12 =	rddreg [dreg:$0x8]  }
0x7e: {  	[tilespmem:s11], [sflag:$0x1] =	stream.indirect.gather [hbm4b:s2+s7], $0x20, s9, s7, $0xb8;
	[tilespmem:$0x10800] =	vst v63  }
0x7f: {  	s10 =	rddreg [dreg:$0x7]  }
0x80: {  	[tilespmem:s12], [sflag:$0x1] =	stream.indirect.gather [hbm4b:s2+s7], $0x20, s10, s7, $0xb8;
	[tilespmem:$0x10800] =	vst v63  }
0x81: {  	s9 =	rddreg [dreg:$0x9]  }
0x82: {  	[tilespmem:s31], [sflag:$0x1] =	stream.indirect.gather [hbm4b:s2+s7], $0x20, s9, s7, $0xb8;
	[tilespmem:$0x10800] =	vst v63  }
0x83: {  	s10 =	rddreg [dreg:$0xb]  }
0x84: {  	[tilespmem:s4], [sflag:$0x1] =	stream.indirect.gather [hbm4b:s2+s7], $0x20, s10, s7, $0xb8;
	[tilespmem:$0x10800] =	vst v63  }
0x85: {  	s9 =	simm.s32 $0x300;
	s10 =	simm.s32 $0x6800  }
0x86: {  	[tilespmem:s10], [sflag:$0x1] =	stream.indirect.gather [hbm4b:s2+s7], $0x20, s9, s7, $0xb8;
	[tilespmem:$0x10800] =	vst v63  }
0x87: {  	s11 =	simm.s32 $0x380;
	s12 =	simm.s32 $0x7800  }
0x88: {  	[tilespmem:s12], [sflag:$0x1] =	stream.indirect.gather [hbm4b:s2+s7], $0x20, s11, s7, $0xb8;
	[tilespmem:$0x10800] =	vst v63  }
0x89: {  	_ = 	snop  }
0x8a: {  	[tilespmem:s14], [sflag:$0x1] =	stream.indirect.gather [hbm4b:s2+s7], $0x20, s13, s7, $0xb8;
	[tilespmem:$0x10800] =	vst v63  }
0x8b: {  	_ = 	snop  }
0x8c: {  	[tilespmem:s16], [sflag:$0x1] =	stream.indirect.gather [hbm4b:s2+s7], $0x20, s15, s7, $0xb8;
	[tilespmem:$0x10800] =	vst v63  }
0x8d: {  	_ = 	snop  }
0x8e: {  	[tilespmem:s18], [sflag:$0x1] =	stream.indirect.gather [hbm4b:s2+s7], $0x20, s17, s7, $0xb8;
	[tilespmem:$0x10800] =	vst v63  }
0x8f: {  	_ = 	snop  }
0x90: {  	[tilespmem:s20], [sflag:$0x1] =	stream.indirect.gather [hbm4b:s2+s7], $0x20, s19, s7, $0xb8;
	[tilespmem:$0x10800] =	vst v63  }
0x91: {  	_ = 	snop  }
0x92: {  	[tilespmem:s22], [sflag:$0x1] =	stream.indirect.gather [hbm4b:s2+s7], $0x20, s21, s7, $0xb8;
	[tilespmem:$0x10800] =	vst v63  }
0x93: {  	_ = 	snop  }
0x94: {  	[tilespmem:s24], [sflag:$0x1] =	stream.indirect.gather [hbm4b:s2+s7], $0x20, s23, s7, $0xb8;
	[tilespmem:$0x10800] =	vst v63  }
0x95: {  	_ = 	snop  }
0x96: {  	[tilespmem:s26], [sflag:$0x1] =	stream.indirect.gather [hbm4b:s2+s7], $0x20, s25, s7, $0xb8;
	[tilespmem:$0x10800] =	vst v63  }
0x97: {  	_ = 	snop  }
0x98: {  	[tilespmem:s29], [sflag:$0x1] =	stream.indirect.gather [hbm4b:s2+s7], $0x20, s28, s7, $0xb8;
	[tilespmem:$0x10800] =	vst v63  }
0x99: {  	_ =	swait.ge [sflag:s30], $0x1000  }
0x9a: {  	[sflag:s30] =	ssyncset.done $0x0  }
0x9b: {  	[sflag:s30] =	ssyncadd.s32 $0xFFFFF000  }
0x9c: {  	_ =	swait.ge [sflag:s30], $0x1000  }
0x9d: {  	[sflag:s30] =	ssyncset.done $0x0  }
0x9e: {  	[sflag:s30] =	ssyncadd.s32 $0xFFFFF000  }
0x9f: {  	_ =	swait.ge [sflag:s30], $0x1000  }
0xa0: {  	[sflag:s30] =	ssyncset.done $0x0  }
0xa1: {  	[sflag:s30] =	ssyncadd.s32 $0xFFFFF000  }
0xa2: {  	_ =	swait.ge [sflag:s30], $0x1000  }
0xa3: {  	[sflag:s30] =	ssyncset.done $0x0  }
0xa4: {  	[sflag:s30] =	ssyncadd.s32 $0xFFFFF000  }
0xa5: {  	_ =	swait.ge [sflag:s30], $0x1000  }
0xa6: {  	[sflag:s30] =	ssyncset.done $0x0  }
0xa7: {  	[sflag:s30] =	ssyncadd.s32 $0xFFFFF000  }
0xa8: {  	_ =	swait.ge [sflag:s30], $0x1000  }
0xa9: {  	[sflag:s30] =	ssyncset.done $0x0  }
0xaa: {  	[sflag:s30] =	ssyncadd.s32 $0xFFFFF000  }
0xab: {  	_ =	swait.ge [sflag:s30], $0x1000  }
0xac: {  	[sflag:s30] =	ssyncset.done $0x0  }
0xad: {  	[sflag:s30] =	ssyncadd.s32 $0xFFFFF000  }
0xae: {  	_ =	swait.ge [sflag:s30], $0x1000  }
0xaf: {  	[sflag:s30] =	ssyncset.done $0x0  }
0xb0: {  	[sflag:s30] =	ssyncadd.s32 $0xFFFFF000  }
0xb1: {  	_ =	swait.ge [sflag:s30], $0x1000  }
0xb2: {  	[sflag:s30] =	ssyncset.done $0x0  }
0xb3: {  	[sflag:s30] =	ssyncadd.s32 $0xFFFFF000  }
0xb4: {  	_ =	swait.ge [sflag:s30], $0x1000  }
0xb5: {  	[sflag:s30] =	ssyncset.done $0x0  }
0xb6: {  	[sflag:s30] =	ssyncadd.s32 $0xFFFFF000  }
0xb7: {  	_ =	swait.ge [sflag:s30], $0x1000  }
0xb8: {  	[sflag:s30] =	ssyncset.done $0x0  }
0xb9: {  	[sflag:s30] =	ssyncadd.s32 $0xFFFFF000  }
0xba: {  	_ =	swait.ge [sflag:s30], $0x1000  }
0xbb: {  	[sflag:s30] =	ssyncset.done $0x0  }
0xbc: {  	[sflag:s30] =	ssyncadd.s32 $0xFFFFF000  }
0xbd: {  	_ =	swait.ge [sflag:s30], $0x1000  }
0xbe: {  	[sflag:s30] =	ssyncset.done $0x0  }
0xbf: {  	[sflag:s30] =	ssyncadd.s32 $0xFFFFF000  }
0xc0: {  	_ =	swait.ge [sflag:s30], $0x1000  }
0xc1: {  	[sflag:s30] =	ssyncset.done $0x0  }
0xc2: {  	[sflag:s30] =	ssyncadd.s32 $0xFFFFF000  }
0xc3: {  	p0 =	sne.s32 s1, $0x6300;
	_ =	swait.ge [sflag:s30], $0x1000  }
.Ltmp0:
0xc4: {  	[sflag:s30] =	ssyncset.done $0x0;
	(pc) =	sbr.rel @p0 .LBB2_2-.Ltmp0, $4  }
0xc5: {  	[sflag:s30] =	ssyncadd.s32 $0xFFFFF000  }
0xc6: {  	_ =	swait.ge [sflag:s30], $0x1000  }
0xc7: {  	s5 =	smov.u32 s0;
	[sflag:s30] =	ssyncset.done $0x0  }
0xc8: {  	s1 =	sadd.s32 $0x100, s1;
	s0 =	sadd.s32 $0x2000, s0;
	[sflag:s30] =	ssyncadd.s32 $0xFFFFF000  }
0xc9: {  	[hbm4b:s5+s3] =	stream.linear.scatter [tilespmem:s8], [sflag:$0x2], $0x10000, $0x38;
	[tilespmem:$0x10800] =	vst v63  }
0xca: {  	_ =	swait.ge [sflag:s6], $0x10000  }
0xcb: {  	s1 =	rddreg [dreg:$0xf]  }
0xcc: {  	s0 =	rddreg [dreg:$0xd];
	s1 =	sadd.s32 $0x1, s1  }
0xcd: {  	p0 =	sne.s32 s1, s0  }
.Ltmp1:
0xce: {  	_ = 	snop;
	(pc) =	sbr.rel @p0 .LBB2_1-.Ltmp1, $3  }
0xcf: {  	_ =	sdelay $0x1  }
0xd0: {  	[sflag:s6] =	ssyncset.done $0x0  }
0xd1: {  	[sflag:s6] =	ssyncadd.s32 $0xFFFF0000  }
0xd2: {  	_ =	sfence.sel $0x180000  }
0xd3: {  	[bflag:$0x0] =	sbarrier.arrive $0xFFFF  }
0xd4: {  	_ =	strace $0x90000047  }
0xd5: {  	s0 =	stileid.u32;
	[bflag:$0x2] =	sbarrier.arrive $0xFFFF  }
0xd6: {  	p0 =	sne.s32 s0, $0x0;
	s0 =	rddreg [dreg:$0x2]  }
0xd7: {  	s0 =	sadd.s32 @!p0 $0x100000, s0  }
0xd8: {  	[sflag:s0] =	ssyncadd.tile.s32 @!p0 $0x1;
	_ =	shalt  }
.Lfunc_end2:
_tile_overlayer_lowered:
.L_overlay_start_2:
0xd9: {  	(tag) =	ssettag $0x2  }
0xda: {  	s0 =	rddreg [dreg:$0x0];
	s2 =	stileid.u32  }
0xdb: {  	s1 =	rddreg [dreg:$0x1];
	p0 =	sne.s32 s2, $0x0  }
0xdc: {  	s3 =	rddreg [dreg:$0x2];
	[bflag:$0x3] =	sbarrier.arrive $0xFFFF;
	s2 =	simm.s32 @!p0 $0x1C02  }
0xdd: {  	[timem:s3], [sflag:s2] =	dma.local @!p0 [hbm:s0], s1  }
0xde: {  	s0 =	simm.s32 @!p0 $0x2  }
0xdf: {  	_ =	swait.ge @!p0 [sflag:s0], s1  }
0xe0: {  	s1 =	ssub.s32 @!p0 $0x0, s1;
	[sflag:s0] =	ssyncset.done @!p0 $0x0  }
0xe1: {  	[sflag:s0] =	ssyncadd.s32 @!p0 s1  }
0xe2: {  	[bflag:$0x3] =	sbarrier.arrive $0xFFFF  }
0xe3: {  	_ =	shalt  }

</sc_bundles>
